<compile_context>
chip_gen: v7x
topology: tpu7x:2x2x1
jax: 0.10.2.dev20260603
libtpu: 0.0.44.dev20260713+nightly
codegen_flags: <defaults>
</compile_context>

<pallas_src>
import functools

import jax
import jax.numpy as jnp
from jax import lax
from jax.experimental import pallas as pl
from jax.experimental.pallas import tpu as pltpu
from jax.experimental.pallas import tpu_sc as plsc

_B = 16384
_D = 64
_L = 16

_info = plsc.get_sparse_core_info()
_NC, _NS = _info.num_cores, _info.num_subcores
_NW = _NC * _NS
_BPW = _B // _NW
_IDX_CHUNK = 128
_NCHUNK = _BPW // _IDX_CHUNK
_GROUPS = _BPW // _L


def _gather_body(uidx_hbm, iidx_hbm, ubias_hbm, ibias_hbm, out_hbm,
                 uidx_v, iidx_v, ub_v, ib_v, out_v, isem, isem2, sem):
    wid = lax.axis_index("s") * _NC + lax.axis_index("c")
    base = wid * _BPW

    cu = pltpu.async_copy(uidx_hbm.at[pl.ds(base, _BPW)], uidx_v, isem)
    ci = pltpu.async_copy(iidx_hbm.at[pl.ds(base, _BPW)], iidx_v, isem2)

    gathers = []
    cu.wait()
    for j in range(_NCHUNK):
        s = pl.ds(j * _IDX_CHUNK, _IDX_CHUNK)
        gathers.append(pltpu.async_copy(
            ubias_hbm.at[0].at[uidx_v.at[s]], ub_v.at[s], sem))
    ci.wait()
    for j in range(_NCHUNK):
        s = pl.ds(j * _IDX_CHUNK, _IDX_CHUNK)
        gathers.append(pltpu.async_copy(
            ibias_hbm.at[0].at[iidx_v.at[s]], ib_v.at[s], sem))
    for c in gathers:
        c.wait()

    for g in range(_GROUPS):
        row0 = g * _L
        out_v[pl.ds(row0, _L)] = (ub_v[pl.ds(row0, _L)]
                                  + ib_v[pl.ds(row0, _L)])
    pltpu.sync_copy(out_v, out_hbm.at[pl.ds(base, _BPW)])


def _dot_body(u_ref, i_ref, o_ref):
    p = jnp.sum(u_ref[...] * i_ref[...], axis=0)
    j = pl.program_id(0)

    @pl.when(j == 0)
    def _():
        o_ref[...] = p

    @pl.when(j > 0)
    def _():
        o_ref[...] = o_ref[...] + p


def _add_body(g_ref, a_ref, b_ref, o_ref):
    o_ref[...] = a_ref[...] + b_ref[...] + g_ref[0]


_DOT_ROWS = 16


@jax.jit
def _pooler(u_emb, i_emb, u_idx, i_idx, ubias, ibias, gb):
    mesh = plsc.VectorSubcoreMesh(core_axis_name="c", subcore_axis_name="s")
    bias_sum = functools.partial(
        pl.kernel, mesh=mesh,
        out_type=jax.ShapeDtypeStruct((_B,), jnp.float32),
        scratch_types=[
            pltpu.VMEM((_BPW,), jnp.int32),
            pltpu.VMEM((_BPW,), jnp.int32),
            pltpu.VMEM((_BPW,), jnp.float32),
            pltpu.VMEM((_BPW,), jnp.float32),
            pltpu.VMEM((_BPW,), jnp.float32),
            pltpu.SemaphoreType.DMA,
            pltpu.SemaphoreType.DMA,
            pltpu.SemaphoreType.DMA,
        ],
    )(_gather_body)(u_idx, i_idx, ubias, ibias)

    dot = pl.pallas_call(
        _dot_body,
        grid=(_D // _DOT_ROWS,),
        in_specs=[
            pl.BlockSpec((_DOT_ROWS, _B), lambda j: (j, 0)),
            pl.BlockSpec((_DOT_ROWS, _B), lambda j: (j, 0)),
        ],
        out_specs=pl.BlockSpec((_B,), lambda j: (0,)),
        out_shape=jax.ShapeDtypeStruct((_B,), jnp.float32),
    )(u_emb, i_emb)

    return pl.pallas_call(
        _add_body,
        in_specs=[
            pl.BlockSpec(memory_space=pltpu.SMEM),
            pl.BlockSpec((_B,), lambda: (0,)),
            pl.BlockSpec((_B,), lambda: (0,)),
        ],
        out_shape=jax.ShapeDtypeStruct((_B,), jnp.float32),
    )(gb, dot, bias_sum)


def kernel(u_emb, i_emb, u_idx, i_idx, user_bias, item_bias, global_bias):
    return _pooler(
        u_emb.T, i_emb.T,
        u_idx.astype(jnp.int32), i_idx.astype(jnp.int32),
        user_bias.T, item_bias.T,
        global_bias.astype(jnp.float32))

# --- scband reference (transcript-rebuilt; emitter-appended) ---
"""Pipeline reference for scband-base-pooler-20100446945819 (READ-ONLY COPY).

The authoritative reference and input builder live on the scoring server;
editing this copy changes nothing except your own understanding.
"""

import jax, jax.numpy as jnp
import numpy as np

N_USERS = 100000
N_ITEMS = 100000
EMB_DIM = 64
BATCH = 16384


def setup_inputs(seed: int = 0) -> dict:
    key = jax.random.key(seed)
    k1, k2, k3, k4, k5, k6 = jax.random.split(key, 6)
    u_emb = jax.random.normal(k1, (BATCH, EMB_DIM), dtype=jnp.float32)
    i_emb = jax.random.normal(k2, (BATCH, EMB_DIM), dtype=jnp.float32)
    u_idx = jax.random.randint(k3, (BATCH,), 0, N_USERS, dtype=jnp.int64 if jax.config.jax_enable_x64 else jnp.int32)
    i_idx = jax.random.randint(k4, (BATCH,), 0, N_ITEMS, dtype=jnp.int64 if jax.config.jax_enable_x64 else jnp.int32)
    # learned parameters: nn.Embedding(n_users, 1), nn.Embedding(n_items, 1), global bias scalar
    user_bias = jax.random.normal(k5, (N_USERS, 1), dtype=jnp.float32)
    item_bias = jax.random.normal(k6, (N_ITEMS, 1), dtype=jnp.float32)
    global_bias = jnp.zeros((1,), dtype=jnp.float32)
    return {
        "u_emb": u_emb,
        "i_emb": i_emb,
        "u_idx": u_idx,
        "i_idx": i_idx,
        "user_bias": user_bias,
        "item_bias": item_bias,
        "global_bias": global_bias,
    }


def reference(u_emb, i_emb, u_idx, i_idx, user_bias, item_bias, global_bias):
    # rating_head: dot(u_emb, i_emb) + user_bias[u_idx] + item_bias[i_idx] + global_bias
    dot = (u_emb * i_emb).sum(axis=1)  # [B]
    ub = jnp.take(user_bias, u_idx, axis=0).squeeze(-1)  # gather -> [B]
    ib = jnp.take(item_bias, i_idx, axis=0).squeeze(-1)  # gather -> [B]
    return dot + ub + ib + global_bias  # [B], global_bias [1] broadcasts

if __name__ == "__main__":
    import jax
    _d = setup_inputs()
    print(jax.jit(kernel)(*tuple(_d.values())))

</pallas_src>

<mosaic_0001>
#map = affine_map<(d0, d1) -> (0)>
#map1 = affine_map<(d0, d1) -> (0, 0)>
module attributes {stable_mosaic.version = 14 : i64} {
  func.func @_gather_body(%arg0: i32, %arg1: i32, %arg2: memref<16384xi32, #tpu.memory_space<hbm>>, %arg3: memref<16384xi32, #tpu.memory_space<hbm>>, %arg4: memref<1x100000xf32, #tpu.memory_space<hbm>>, %arg5: memref<1x100000xf32, #tpu.memory_space<hbm>>, %arg6: memref<16384xf32, #tpu.memory_space<hbm>>, %arg7: memref<512xi32, #tpu.memory_space<vmem>>, %arg8: memref<512xi32, #tpu.memory_space<vmem>>, %arg9: memref<512xf32, #tpu.memory_space<vmem>>, %arg10: memref<512xf32, #tpu.memory_space<vmem>>, %arg11: memref<512xf32, #tpu.memory_space<vmem>>, %arg12: memref<!tpu.dma_semaphore, #tpu.memory_space<semaphore_mem>>, %arg13: memref<!tpu.dma_semaphore, #tpu.memory_space<semaphore_mem>>, %arg14: memref<!tpu.dma_semaphore, #tpu.memory_space<semaphore_mem>>) attributes {dimension_semantics = [#tpu.dimension_semantics<core_parallel>, #tpu.dimension_semantics<subcore_parallel>], iteration_bounds = array<i64: 2, 16>, scalar_prefetch = 0 : i64, scratch_operands = 8 : i64, tpu.core_type = #tpu.core_type<sc_vector_subcore>, window_params = [{transform_indices = #map}, {transform_indices = #map}, {transform_indices = #map1}, {transform_indices = #map1}, {transform_indices = #map}]} {
    %mul3A = arith.constant 2 : i32
    %mul3A_0 = arith.muli %arg1, %mul3A : i32
    %add3A = arith.addi %mul3A_0, %arg0 : i32
    %mul3A_1 = arith.constant 512 : i32
    %mul3A_2 = arith.muli %add3A, %mul3A_1 : i32
    %dma_start3A = tpu.memref_slice %arg2[%mul3A_2] : memref<16384xi32, #tpu.memory_space<hbm>> -> memref<512xi32, #tpu.memory_space<hbm>>
    %dma_start3A_3 = tpu.memref_slice %arg2[%mul3A_2] : memref<16384xi32, #tpu.memory_space<hbm>> -> memref<512xi32, #tpu.memory_space<hbm>>
    tpu.enqueue_dma source(%dma_start3A_3 : memref<512xi32, #tpu.memory_space<hbm>>) target(%arg7 : memref<512xi32, #tpu.memory_space<vmem>>) target_semaphore(%arg12 : memref<!tpu.dma_semaphore, #tpu.memory_space<semaphore_mem>>)
    %dma_start3A_4 = tpu.memref_slice %arg3[%mul3A_2] : memref<16384xi32, #tpu.memory_space<hbm>> -> memref<512xi32, #tpu.memory_space<hbm>>
    %dma_start3A_5 = tpu.memref_slice %arg3[%mul3A_2] : memref<16384xi32, #tpu.memory_space<hbm>> -> memref<512xi32, #tpu.memory_space<hbm>>
    tpu.enqueue_dma source(%dma_start3A_5 : memref<512xi32, #tpu.memory_space<hbm>>) target(%arg8 : memref<512xi32, #tpu.memory_space<vmem>>) target_semaphore(%arg13 : memref<!tpu.dma_semaphore, #tpu.memory_space<semaphore_mem>>)
    %dma_wait3A = tpu.memref_slice %arg2[%mul3A_2] : memref<16384xi32, #tpu.memory_space<hbm>> -> memref<512xi32, #tpu.memory_space<hbm>>
    %dma_wait3A_6 = tpu.memref_slice %arg2[%mul3A_2] : memref<16384xi32, #tpu.memory_space<hbm>> -> memref<512xi32, #tpu.memory_space<hbm>>
    tpu.wait_dma2 semaphore(%arg12 : memref<!tpu.dma_semaphore, #tpu.memory_space<semaphore_mem>>) src(%dma_wait3A_6 : memref<512xi32, #tpu.memory_space<hbm>>) dst(%arg7 : memref<512xi32, #tpu.memory_space<vmem>>)
    %dma_start3A_7 = arith.constant 0 : i32
    %dma_start3A_8 = arith.constant 0 : i32
    %dma_start3A_9 = tpu.memref_slice %arg9[%dma_start3A_8] : memref<512xf32, #tpu.memory_space<vmem>> -> memref<128xf32, #tpu.memory_space<vmem>>
    %dma_start3A_10 = arith.constant 0 : i32
    %dma_start3A_11 = tpu.memref_slice %arg7[%dma_start3A_10] : memref<512xi32, #tpu.memory_space<vmem>> -> memref<128xi32, #tpu.memory_space<vmem>>
    %dma_start3A_12 = arith.constant 0 : i32
    %dma_start3A_13 = tpu.memref_slice %arg4[%dma_start3A_7, %dma_start3A_12] : memref<1x100000xf32, #tpu.memory_space<hbm>> -> memref<1x100000xf32, #tpu.memory_space<hbm>>
    %dma_start3A_14 = tpu.memref_squeeze %dma_start3A_13 : memref<1x100000xf32, #tpu.memory_space<hbm>> -> memref<100000xf32, #tpu.memory_space<hbm>>
    %dma_start3A_15 = arith.constant 0 : i32
    %dma_start3A_16 = tpu.memref_slice %dma_start3A_14[%dma_start3A_15] : memref<100000xf32, #tpu.memory_space<hbm>> -> memref<100000xf32, #tpu.memory_space<hbm>>
    tpu.enqueue_indirect_dma source(%dma_start3A_16 : memref<100000xf32, #tpu.memory_space<hbm>>) target(%dma_start3A_9 : memref<128xf32, #tpu.memory_space<vmem>>) offsets(%dma_start3A_11 : memref<128xi32, #tpu.memory_space<vmem>>) semaphore(%arg14 : memref<!tpu.dma_semaphore, #tpu.memory_space<semaphore_mem>>)
    %dma_start3A_17 = arith.constant 0 : i32
    %dma_start3A_18 = arith.constant 128 : i32
    %dma_start3A_19 = tpu.memref_slice %arg9[%dma_start3A_18] : memref<512xf32, #tpu.memory_space<vmem>> -> memref<128xf32, #tpu.memory_space<vmem>>
    %dma_start3A_20 = arith.constant 128 : i32
    %dma_start3A_21 = tpu.memref_slice %arg7[%dma_start3A_20] : memref<512xi32, #tpu.memory_space<vmem>> -> memref<128xi32, #tpu.memory_space<vmem>>
    %dma_start3A_22 = arith.constant 0 : i32
    %dma_start3A_23 = tpu.memref_slice %arg4[%dma_start3A_17, %dma_start3A_22] : memref<1x100000xf32, #tpu.memory_space<hbm>> -> memref<1x100000xf32, #tpu.memory_space<hbm>>
    %dma_start3A_24 = tpu.memref_squeeze %dma_start3A_23 : memref<1x100000xf32, #tpu.memory_space<hbm>> -> memref<100000xf32, #tpu.memory_space<hbm>>
    %dma_start3A_25 = arith.constant 0 : i32
    %dma_start3A_26 = tpu.memref_slice %dma_start3A_24[%dma_start3A_25] : memref<100000xf32, #tpu.memory_space<hbm>> -> memref<100000xf32, #tpu.memory_space<hbm>>
    tpu.enqueue_indirect_dma source(%dma_start3A_26 : memref<100000xf32, #tpu.memory_space<hbm>>) target(%dma_start3A_19 : memref<128xf32, #tpu.memory_space<vmem>>) offsets(%dma_start3A_21 : memref<128xi32, #tpu.memory_space<vmem>>) semaphore(%arg14 : memref<!tpu.dma_semaphore, #tpu.memory_space<semaphore_mem>>)
    %dma_start3A_27 = arith.constant 0 : i32
    %dma_start3A_28 = arith.constant 256 : i32
    %dma_start3A_29 = tpu.memref_slice %arg9[%dma_start3A_28] : memref<512xf32, #tpu.memory_space<vmem>> -> memref<128xf32, #tpu.memory_space<vmem>>
    %dma_start3A_30 = arith.constant 256 : i32
    %dma_start3A_31 = tpu.memref_slice %arg7[%dma_start3A_30] : memref<512xi32, #tpu.memory_space<vmem>> -> memref<128xi32, #tpu.memory_space<vmem>>
    %dma_start3A_32 = arith.constant 0 : i32
    %dma_start3A_33 = tpu.memref_slice %arg4[%dma_start3A_27, %dma_start3A_32] : memref<1x100000xf32, #tpu.memory_space<hbm>> -> memref<1x100000xf32, #tpu.memory_space<hbm>>
    %dma_start3A_34 = tpu.memref_squeeze %dma_start3A_33 : memref<1x100000xf32, #tpu.memory_space<hbm>> -> memref<100000xf32, #tpu.memory_space<hbm>>
    %dma_start3A_35 = arith.constant 0 : i32
    %dma_start3A_36 = tpu.memref_slice %dma_start3A_34[%dma_start3A_35] : memref<100000xf32, #tpu.memory_space<hbm>> -> memref<100000xf32, #tpu.memory_space<hbm>>
    tpu.enqueue_indirect_dma source(%dma_start3A_36 : memref<100000xf32, #tpu.memory_space<hbm>>) target(%dma_start3A_29 : memref<128xf32, #tpu.memory_space<vmem>>) offsets(%dma_start3A_31 : memref<128xi32, #tpu.memory_space<vmem>>) semaphore(%arg14 : memref<!tpu.dma_semaphore, #tpu.memory_space<semaphore_mem>>)
    %dma_start3A_37 = arith.constant 0 : i32
    %dma_start3A_38 = arith.constant 384 : i32
    %dma_start3A_39 = tpu.memref_slice %arg9[%dma_start3A_38] : memref<512xf32, #tpu.memory_space<vmem>> -> memref<128xf32, #tpu.memory_space<vmem>>
    %dma_start3A_40 = arith.constant 384 : i32
    %dma_start3A_41 = tpu.memref_slice %arg7[%dma_start3A_40] : memref<512xi32, #tpu.memory_space<vmem>> -> memref<128xi32, #tpu.memory_space<vmem>>
    %dma_start3A_42 = arith.constant 0 : i32
    %dma_start3A_43 = tpu.memref_slice %arg4[%dma_start3A_37, %dma_start3A_42] : memref<1x100000xf32, #tpu.memory_space<hbm>> -> memref<1x100000xf32, #tpu.memory_space<hbm>>
    %dma_start3A_44 = tpu.memref_squeeze %dma_start3A_43 : memref<1x100000xf32, #tpu.memory_space<hbm>> -> memref<100000xf32, #tpu.memory_space<hbm>>
    %dma_start3A_45 = arith.constant 0 : i32
    %dma_start3A_46 = tpu.memref_slice %dma_start3A_44[%dma_start3A_45] : memref<100000xf32, #tpu.memory_space<hbm>> -> memref<100000xf32, #tpu.memory_space<hbm>>
    tpu.enqueue_indirect_dma source(%dma_start3A_46 : memref<100000xf32, #tpu.memory_space<hbm>>) target(%dma_start3A_39 : memref<128xf32, #tpu.memory_space<vmem>>) offsets(%dma_start3A_41 : memref<128xi32, #tpu.memory_space<vmem>>) semaphore(%arg14 : memref<!tpu.dma_semaphore, #tpu.memory_space<semaphore_mem>>)
    %dma_wait3A_47 = tpu.memref_slice %arg3[%mul3A_2] : memref<16384xi32, #tpu.memory_space<hbm>> -> memref<512xi32, #tpu.memory_space<hbm>>
    %dma_wait3A_48 = tpu.memref_slice %arg3[%mul3A_2] : memref<16384xi32, #tpu.memory_space<hbm>> -> memref<512xi32, #tpu.memory_space<hbm>>
    tpu.wait_dma2 semaphore(%arg13 : memref<!tpu.dma_semaphore, #tpu.memory_space<semaphore_mem>>) src(%dma_wait3A_48 : memref<512xi32, #tpu.memory_space<hbm>>) dst(%arg8 : memref<512xi32, #tpu.memory_space<vmem>>)
    %dma_start3A_49 = arith.constant 0 : i32
    %dma_start3A_50 = arith.constant 0 : i32
    %dma_start3A_51 = tpu.memref_slice %arg10[%dma_start3A_50] : memref<512xf32, #tpu.memory_space<vmem>> -> memref<128xf32, #tpu.memory_space<vmem>>
    %dma_start3A_52 = arith.constant 0 : i32
    %dma_start3A_53 = tpu.memref_slice %arg8[%dma_start3A_52] : memref<512xi32, #tpu.memory_space<vmem>> -> memref<128xi32, #tpu.memory_space<vmem>>
    %dma_start3A_54 = arith.constant 0 : i32
    %dma_start3A_55 = tpu.memref_slice %arg5[%dma_start3A_49, %dma_start3A_54] : memref<1x100000xf32, #tpu.memory_space<hbm>> -> memref<1x100000xf32, #tpu.memory_space<hbm>>
    %dma_start3A_56 = tpu.memref_squeeze %dma_start3A_55 : memref<1x100000xf32, #tpu.memory_space<hbm>> -> memref<100000xf32, #tpu.memory_space<hbm>>
    %dma_start3A_57 = arith.constant 0 : i32
    %dma_start3A_58 = tpu.memref_slice %dma_start3A_56[%dma_start3A_57] : memref<100000xf32, #tpu.memory_space<hbm>> -> memref<100000xf32, #tpu.memory_space<hbm>>
    tpu.enqueue_indirect_dma source(%dma_start3A_58 : memref<100000xf32, #tpu.memory_space<hbm>>) target(%dma_start3A_51 : memref<128xf32, #tpu.memory_space<vmem>>) offsets(%dma_start3A_53 : memref<128xi32, #tpu.memory_space<vmem>>) semaphore(%arg14 : memref<!tpu.dma_semaphore, #tpu.memory_space<semaphore_mem>>)
    %dma_start3A_59 = arith.constant 0 : i32
    %dma_start3A_60 = arith.constant 128 : i32
    %dma_start3A_61 = tpu.memref_slice %arg10[%dma_start3A_60] : memref<512xf32, #tpu.memory_space<vmem>> -> memref<128xf32, #tpu.memory_space<vmem>>
    %dma_start3A_62 = arith.constant 128 : i32
    %dma_start3A_63 = tpu.memref_slice %arg8[%dma_start3A_62] : memref<512xi32, #tpu.memory_space<vmem>> -> memref<128xi32, #tpu.memory_space<vmem>>
    %dma_start3A_64 = arith.constant 0 : i32
    %dma_start3A_65 = tpu.memref_slice %arg5[%dma_start3A_59, %dma_start3A_64] : memref<1x100000xf32, #tpu.memory_space<hbm>> -> memref<1x100000xf32, #tpu.memory_space<hbm>>
    %dma_start3A_66 = tpu.memref_squeeze %dma_start3A_65 : memref<1x100000xf32, #tpu.memory_space<hbm>> -> memref<100000xf32, #tpu.memory_space<hbm>>
    %dma_start3A_67 = arith.constant 0 : i32
    %dma_start3A_68 = tpu.memref_slice %dma_start3A_66[%dma_start3A_67] : memref<100000xf32, #tpu.memory_space<hbm>> -> memref<100000xf32, #tpu.memory_space<hbm>>
    tpu.enqueue_indirect_dma source(%dma_start3A_68 : memref<100000xf32, #tpu.memory_space<hbm>>) target(%dma_start3A_61 : memref<128xf32, #tpu.memory_space<vmem>>) offsets(%dma_start3A_63 : memref<128xi32, #tpu.memory_space<vmem>>) semaphore(%arg14 : memref<!tpu.dma_semaphore, #tpu.memory_space<semaphore_mem>>)
    %dma_start3A_69 = arith.constant 0 : i32
    %dma_start3A_70 = arith.constant 256 : i32
    %dma_start3A_71 = tpu.memref_slice %arg10[%dma_start3A_70] : memref<512xf32, #tpu.memory_space<vmem>> -> memref<128xf32, #tpu.memory_space<vmem>>
    %dma_start3A_72 = arith.constant 256 : i32
    %dma_start3A_73 = tpu.memref_slice %arg8[%dma_start3A_72] : memref<512xi32, #tpu.memory_space<vmem>> -> memref<128xi32, #tpu.memory_space<vmem>>
    %dma_start3A_74 = arith.constant 0 : i32
    %dma_start3A_75 = tpu.memref_slice %arg5[%dma_start3A_69, %dma_start3A_74] : memref<1x100000xf32, #tpu.memory_space<hbm>> -> memref<1x100000xf32, #tpu.memory_space<hbm>>
    %dma_start3A_76 = tpu.memref_squeeze %dma_start3A_75 : memref<1x100000xf32, #tpu.memory_space<hbm>> -> memref<100000xf32, #tpu.memory_space<hbm>>
    %dma_start3A_77 = arith.constant 0 : i32
    %dma_start3A_78 = tpu.memref_slice %dma_start3A_76[%dma_start3A_77] : memref<100000xf32, #tpu.memory_space<hbm>> -> memref<100000xf32, #tpu.memory_space<hbm>>
    tpu.enqueue_indirect_dma source(%dma_start3A_78 : memref<100000xf32, #tpu.memory_space<hbm>>) target(%dma_start3A_71 : memref<128xf32, #tpu.memory_space<vmem>>) offsets(%dma_start3A_73 : memref<128xi32, #tpu.memory_space<vmem>>) semaphore(%arg14 : memref<!tpu.dma_semaphore, #tpu.memory_space<semaphore_mem>>)
    %dma_start3A_79 = arith.constant 0 : i32
    %dma_start3A_80 = arith.constant 384 : i32
    %dma_start3A_81 = tpu.memref_slice %arg10[%dma_start3A_80] : memref<512xf32, #tpu.memory_space<vmem>> -> memref<128xf32, #tpu.memory_space<vmem>>
    %dma_start3A_82 = arith.constant 384 : i32
    %dma_start3A_83 = tpu.memref_slice %arg8[%dma_start3A_82] : memref<512xi32, #tpu.memory_space<vmem>> -> memref<128xi32, #tpu.memory_space<vmem>>
    %dma_start3A_84 = arith.constant 0 : i32
    %dma_start3A_85 = tpu.memref_slice %arg5[%dma_start3A_79, %dma_start3A_84] : memref<1x100000xf32, #tpu.memory_space<hbm>> -> memref<1x100000xf32, #tpu.memory_space<hbm>>
    %dma_start3A_86 = tpu.memref_squeeze %dma_start3A_85 : memref<1x100000xf32, #tpu.memory_space<hbm>> -> memref<100000xf32, #tpu.memory_space<hbm>>
    %dma_start3A_87 = arith.constant 0 : i32
    %dma_start3A_88 = tpu.memref_slice %dma_start3A_86[%dma_start3A_87] : memref<100000xf32, #tpu.memory_space<hbm>> -> memref<100000xf32, #tpu.memory_space<hbm>>
    tpu.enqueue_indirect_dma source(%dma_start3A_88 : memref<100000xf32, #tpu.memory_space<hbm>>) target(%dma_start3A_81 : memref<128xf32, #tpu.memory_space<vmem>>) offsets(%dma_start3A_83 : memref<128xi32, #tpu.memory_space<vmem>>) semaphore(%arg14 : memref<!tpu.dma_semaphore, #tpu.memory_space<semaphore_mem>>)
    %dma_wait3A_89 = arith.constant 0 : i32
    %dma_wait3A_90 = arith.constant 0 : i32
    %dma_wait3A_91 = tpu.memref_slice %arg9[%dma_wait3A_90] : memref<512xf32, #tpu.memory_space<vmem>> -> memref<128xf32, #tpu.memory_space<vmem>>
    %dma_wait3A_92 = arith.constant 0 : i32
    %dma_wait3A_93 = tpu.memref_slice %arg7[%dma_wait3A_92] : memref<512xi32, #tpu.memory_space<vmem>> -> memref<128xi32, #tpu.memory_space<vmem>>
    %dma_wait3A_94 = arith.constant 0 : i32
    %dma_wait3A_95 = tpu.memref_slice %arg4[%dma_wait3A_89, %dma_wait3A_94] : memref<1x100000xf32, #tpu.memory_space<hbm>> -> memref<1x100000xf32, #tpu.memory_space<hbm>>
    %dma_wait3A_96 = tpu.memref_squeeze %dma_wait3A_95 : memref<1x100000xf32, #tpu.memory_space<hbm>> -> memref<100000xf32, #tpu.memory_space<hbm>>
    %dma_wait3A_97 = arith.constant 0 : i32
    %dma_wait3A_98 = tpu.memref_slice %dma_wait3A_96[%dma_wait3A_97] : memref<100000xf32, #tpu.memory_space<hbm>> -> memref<100000xf32, #tpu.memory_space<hbm>>
    tpu.wait_indirect_dma semaphore(%arg14 : memref<!tpu.dma_semaphore, #tpu.memory_space<semaphore_mem>>) src(%dma_wait3A_98 : memref<100000xf32, #tpu.memory_space<hbm>>) dst(%dma_wait3A_91 : memref<128xf32, #tpu.memory_space<vmem>>)
    %dma_wait3A_99 = arith.constant 0 : i32
    %dma_wait3A_100 = arith.constant 128 : i32
    %dma_wait3A_101 = tpu.memref_slice %arg9[%dma_wait3A_100] : memref<512xf32, #tpu.memory_space<vmem>> -> memref<128xf32, #tpu.memory_space<vmem>>
    %dma_wait3A_102 = arith.constant 128 : i32
    %dma_wait3A_103 = tpu.memref_slice %arg7[%dma_wait3A_102] : memref<512xi32, #tpu.memory_space<vmem>> -> memref<128xi32, #tpu.memory_space<vmem>>
    %dma_wait3A_104 = arith.constant 0 : i32
    %dma_wait3A_105 = tpu.memref_slice %arg4[%dma_wait3A_99, %dma_wait3A_104] : memref<1x100000xf32, #tpu.memory_space<hbm>> -> memref<1x100000xf32, #tpu.memory_space<hbm>>
    %dma_wait3A_106 = tpu.memref_squeeze %dma_wait3A_105 : memref<1x100000xf32, #tpu.memory_space<hbm>> -> memref<100000xf32, #tpu.memory_space<hbm>>
    %dma_wait3A_107 = arith.constant 0 : i32
    %dma_wait3A_108 = tpu.memref_slice %dma_wait3A_106[%dma_wait3A_107] : memref<100000xf32, #tpu.memory_space<hbm>> -> memref<100000xf32, #tpu.memory_space<hbm>>
    tpu.wait_indirect_dma semaphore(%arg14 : memref<!tpu.dma_semaphore, #tpu.memory_space<semaphore_mem>>) src(%dma_wait3A_108 : memref<100000xf32, #tpu.memory_space<hbm>>) dst(%dma_wait3A_101 : memref<128xf32, #tpu.memory_space<vmem>>)
    %dma_wait3A_109 = arith.constant 0 : i32
    %dma_wait3A_110 = arith.constant 256 : i32
    %dma_wait3A_111 = tpu.memref_slice %arg9[%dma_wait3A_110] : memref<512xf32, #tpu.memory_space<vmem>> -> memref<128xf32, #tpu.memory_space<vmem>>
    %dma_wait3A_112 = arith.constant 256 : i32
    %dma_wait3A_113 = tpu.memref_slice %arg7[%dma_wait3A_112] : memref<512xi32, #tpu.memory_space<vmem>> -> memref<128xi32, #tpu.memory_space<vmem>>
    %dma_wait3A_114 = arith.constant 0 : i32
    %dma_wait3A_115 = tpu.memref_slice %arg4[%dma_wait3A_109, %dma_wait3A_114] : memref<1x100000xf32, #tpu.memory_space<hbm>> -> memref<1x100000xf32, #tpu.memory_space<hbm>>
    %dma_wait3A_116 = tpu.memref_squeeze %dma_wait3A_115 : memref<1x100000xf32, #tpu.memory_space<hbm>> -> memref<100000xf32, #tpu.memory_space<hbm>>
    %dma_wait3A_117 = arith.constant 0 : i32
    %dma_wait3A_118 = tpu.memref_slice %dma_wait3A_116[%dma_wait3A_117] : memref<100000xf32, #tpu.memory_space<hbm>> -> memref<100000xf32, #tpu.memory_space<hbm>>
    tpu.wait_indirect_dma semaphore(%arg14 : memref<!tpu.dma_semaphore, #tpu.memory_space<semaphore_mem>>) src(%dma_wait3A_118 : memref<100000xf32, #tpu.memory_space<hbm>>) dst(%dma_wait3A_111 : memref<128xf32, #tpu.memory_space<vmem>>)
    %dma_wait3A_119 = arith.constant 0 : i32
    %dma_wait3A_120 = arith.constant 384 : i32
    %dma_wait3A_121 = tpu.memref_slice %arg9[%dma_wait3A_120] : memref<512xf32, #tpu.memory_space<vmem>> -> memref<128xf32, #tpu.memory_space<vmem>>
    %dma_wait3A_122 = arith.constant 384 : i32
    %dma_wait3A_123 = tpu.memref_slice %arg7[%dma_wait3A_122] : memref<512xi32, #tpu.memory_space<vmem>> -> memref<128xi32, #tpu.memory_space<vmem>>
    %dma_wait3A_124 = arith.constant 0 : i32
    %dma_wait3A_125 = tpu.memref_slice %arg4[%dma_wait3A_119, %dma_wait3A_124] : memref<1x100000xf32, #tpu.memory_space<hbm>> -> memref<1x100000xf32, #tpu.memory_space<hbm>>
    %dma_wait3A_126 = tpu.memref_squeeze %dma_wait3A_125 : memref<1x100000xf32, #tpu.memory_space<hbm>> -> memref<100000xf32, #tpu.memory_space<hbm>>
    %dma_wait3A_127 = arith.constant 0 : i32
    %dma_wait3A_128 = tpu.memref_slice %dma_wait3A_126[%dma_wait3A_127] : memref<100000xf32, #tpu.memory_space<hbm>> -> memref<100000xf32, #tpu.memory_space<hbm>>
    tpu.wait_indirect_dma semaphore(%arg14 : memref<!tpu.dma_semaphore, #tpu.memory_space<semaphore_mem>>) src(%dma_wait3A_128 : memref<100000xf32, #tpu.memory_space<hbm>>) dst(%dma_wait3A_121 : memref<128xf32, #tpu.memory_space<vmem>>)
    %dma_wait3A_129 = arith.constant 0 : i32
    %dma_wait3A_130 = arith.constant 0 : i32
    %dma_wait3A_131 = tpu.memref_slice %arg10[%dma_wait3A_130] : memref<512xf32, #tpu.memory_space<vmem>> -> memref<128xf32, #tpu.memory_space<vmem>>
    %dma_wait3A_132 = arith.constant 0 : i32
    %dma_wait3A_133 = tpu.memref_slice %arg8[%dma_wait3A_132] : memref<512xi32, #tpu.memory_space<vmem>> -> memref<128xi32, #tpu.memory_space<vmem>>
    %dma_wait3A_134 = arith.constant 0 : i32
    %dma_wait3A_135 = tpu.memref_slice %arg5[%dma_wait3A_129, %dma_wait3A_134] : memref<1x100000xf32, #tpu.memory_space<hbm>> -> memref<1x100000xf32, #tpu.memory_space<hbm>>
    %dma_wait3A_136 = tpu.memref_squeeze %dma_wait3A_135 : memref<1x100000xf32, #tpu.memory_space<hbm>> -> memref<100000xf32, #tpu.memory_space<hbm>>
    %dma_wait3A_137 = arith.constant 0 : i32
    %dma_wait3A_138 = tpu.memref_slice %dma_wait3A_136[%dma_wait3A_137] : memref<100000xf32, #tpu.memory_space<hbm>> -> memref<100000xf32, #tpu.memory_space<hbm>>
    tpu.wait_indirect_dma semaphore(%arg14 : memref<!tpu.dma_semaphore, #tpu.memory_space<semaphore_mem>>) src(%dma_wait3A_138 : memref<100000xf32, #tpu.memory_space<hbm>>) dst(%dma_wait3A_131 : memref<128xf32, #tpu.memory_space<vmem>>)
    %dma_wait3A_139 = arith.constant 0 : i32
    %dma_wait3A_140 = arith.constant 128 : i32
    %dma_wait3A_141 = tpu.memref_slice %arg10[%dma_wait3A_140] : memref<512xf32, #tpu.memory_space<vmem>> -> memref<128xf32, #tpu.memory_space<vmem>>
    %dma_wait3A_142 = arith.constant 128 : i32
    %dma_wait3A_143 = tpu.memref_slice %arg8[%dma_wait3A_142] : memref<512xi32, #tpu.memory_space<vmem>> -> memref<128xi32, #tpu.memory_space<vmem>>
    %dma_wait3A_144 = arith.constant 0 : i32
    %dma_wait3A_145 = tpu.memref_slice %arg5[%dma_wait3A_139, %dma_wait3A_144] : memref<1x100000xf32, #tpu.memory_space<hbm>> -> memref<1x100000xf32, #tpu.memory_space<hbm>>
    %dma_wait3A_146 = tpu.memref_squeeze %dma_wait3A_145 : memref<1x100000xf32, #tpu.memory_space<hbm>> -> memref<100000xf32, #tpu.memory_space<hbm>>
    %dma_wait3A_147 = arith.constant 0 : i32
    %dma_wait3A_148 = tpu.memref_slice %dma_wait3A_146[%dma_wait3A_147] : memref<100000xf32, #tpu.memory_space<hbm>> -> memref<100000xf32, #tpu.memory_space<hbm>>
    tpu.wait_indirect_dma semaphore(%arg14 : memref<!tpu.dma_semaphore, #tpu.memory_space<semaphore_mem>>) src(%dma_wait3A_148 : memref<100000xf32, #tpu.memory_space<hbm>>) dst(%dma_wait3A_141 : memref<128xf32, #tpu.memory_space<vmem>>)
    %dma_wait3A_149 = arith.constant 0 : i32
    %dma_wait3A_150 = arith.constant 256 : i32
    %dma_wait3A_151 = tpu.memref_slice %arg10[%dma_wait3A_150] : memref<512xf32, #tpu.memory_space<vmem>> -> memref<128xf32, #tpu.memory_space<vmem>>
    %dma_wait3A_152 = arith.constant 256 : i32
    %dma_wait3A_153 = tpu.memref_slice %arg8[%dma_wait3A_152] : memref<512xi32, #tpu.memory_space<vmem>> -> memref<128xi32, #tpu.memory_space<vmem>>
    %dma_wait3A_154 = arith.constant 0 : i32
    %dma_wait3A_155 = tpu.memref_slice %arg5[%dma_wait3A_149, %dma_wait3A_154] : memref<1x100000xf32, #tpu.memory_space<hbm>> -> memref<1x100000xf32, #tpu.memory_space<hbm>>
    %dma_wait3A_156 = tpu.memref_squeeze %dma_wait3A_155 : memref<1x100000xf32, #tpu.memory_space<hbm>> -> memref<100000xf32, #tpu.memory_space<hbm>>
    %dma_wait3A_157 = arith.constant 0 : i32
    %dma_wait3A_158 = tpu.memref_slice %dma_wait3A_156[%dma_wait3A_157] : memref<100000xf32, #tpu.memory_space<hbm>> -> memref<100000xf32, #tpu.memory_space<hbm>>
    tpu.wait_indirect_dma semaphore(%arg14 : memref<!tpu.dma_semaphore, #tpu.memory_space<semaphore_mem>>) src(%dma_wait3A_158 : memref<100000xf32, #tpu.memory_space<hbm>>) dst(%dma_wait3A_151 : memref<128xf32, #tpu.memory_space<vmem>>)
    %dma_wait3A_159 = arith.constant 0 : i32
    %dma_wait3A_160 = arith.constant 384 : i32
    %dma_wait3A_161 = tpu.memref_slice %arg10[%dma_wait3A_160] : memref<512xf32, #tpu.memory_space<vmem>> -> memref<128xf32, #tpu.memory_space<vmem>>
    %dma_wait3A_162 = arith.constant 384 : i32
    %dma_wait3A_163 = tpu.memref_slice %arg8[%dma_wait3A_162] : memref<512xi32, #tpu.memory_space<vmem>> -> memref<128xi32, #tpu.memory_space<vmem>>
    %dma_wait3A_164 = arith.constant 0 : i32
    %dma_wait3A_165 = tpu.memref_slice %arg5[%dma_wait3A_159, %dma_wait3A_164] : memref<1x100000xf32, #tpu.memory_space<hbm>> -> memref<1x100000xf32, #tpu.memory_space<hbm>>
    %dma_wait3A_166 = tpu.memref_squeeze %dma_wait3A_165 : memref<1x100000xf32, #tpu.memory_space<hbm>> -> memref<100000xf32, #tpu.memory_space<hbm>>
    %dma_wait3A_167 = arith.constant 0 : i32
    %dma_wait3A_168 = tpu.memref_slice %dma_wait3A_166[%dma_wait3A_167] : memref<100000xf32, #tpu.memory_space<hbm>> -> memref<100000xf32, #tpu.memory_space<hbm>>
    tpu.wait_indirect_dma semaphore(%arg14 : memref<!tpu.dma_semaphore, #tpu.memory_space<semaphore_mem>>) src(%dma_wait3A_168 : memref<100000xf32, #tpu.memory_space<hbm>>) dst(%dma_wait3A_161 : memref<128xf32, #tpu.memory_space<vmem>>)
    %get3A = arith.constant 0 : index
    %get3A_169 = tpu.vector_load %arg9[%get3A] {strides = array<i32>} : memref<512xf32, #tpu.memory_space<vmem>>, vector<16xf32>,
    %get3A_170 = vector.shape_cast %get3A_169 : vector<16xf32> to vector<16xf32>
    %get3A_171 = arith.constant 0 : index
    %get3A_172 = tpu.vector_load %arg10[%get3A_171] {strides = array<i32>} : memref<512xf32, #tpu.memory_space<vmem>>, vector<16xf32>,
    %get3A_173 = vector.shape_cast %get3A_172 : vector<16xf32> to vector<16xf32>
    %add3A_174 = arith.addf %get3A_170, %get3A_173 : vector<16xf32>
    %swap3A = arith.constant 0 : index
    %swap3A_175 = tpu.vector_load %arg11[%swap3A] {strides = array<i32>} : memref<512xf32, #tpu.memory_space<vmem>>, vector<16xf32>,
    %swap3A_176 = vector.shape_cast %swap3A_175 : vector<16xf32> to vector<16xf32>
    %swap3A_177 = vector.shape_cast %add3A_174 : vector<16xf32> to vector<16xf32>
    tpu.vector_store %arg11[%swap3A], %swap3A_177 {strides = array<i32>} : memref<512xf32, #tpu.memory_space<vmem>>, vector<16xf32>,
    %get3A_178 = arith.constant 16 : index
    %get3A_179 = tpu.vector_load %arg9[%get3A_178] {strides = array<i32>} : memref<512xf32, #tpu.memory_space<vmem>>, vector<16xf32>,
    %get3A_180 = vector.shape_cast %get3A_179 : vector<16xf32> to vector<16xf32>
    %get3A_181 = arith.constant 16 : index
    %get3A_182 = tpu.vector_load %arg10[%get3A_181] {strides = array<i32>} : memref<512xf32, #tpu.memory_space<vmem>>, vector<16xf32>,
    %get3A_183 = vector.shape_cast %get3A_182 : vector<16xf32> to vector<16xf32>
    %add3A_184 = arith.addf %get3A_180, %get3A_183 : vector<16xf32>
    %swap3A_185 = arith.constant 16 : index
    %swap3A_186 = tpu.vector_load %arg11[%swap3A_185] {strides = array<i32>} : memref<512xf32, #tpu.memory_space<vmem>>, vector<16xf32>,
    %swap3A_187 = vector.shape_cast %swap3A_186 : vector<16xf32> to vector<16xf32>
    %swap3A_188 = vector.shape_cast %add3A_184 : vector<16xf32> to vector<16xf32>
    tpu.vector_store %arg11[%swap3A_185], %swap3A_188 {strides = array<i32>} : memref<512xf32, #tpu.memory_space<vmem>>, vector<16xf32>,
    %get3A_189 = arith.constant 32 : index
    %get3A_190 = tpu.vector_load %arg9[%get3A_189] {strides = array<i32>} : memref<512xf32, #tpu.memory_space<vmem>>, vector<16xf32>,
    %get3A_191 = vector.shape_cast %get3A_190 : vector<16xf32> to vector<16xf32>
    %get3A_192 = arith.constant 32 : index
    %get3A_193 = tpu.vector_load %arg10[%get3A_192] {strides = array<i32>} : memref<512xf32, #tpu.memory_space<vmem>>, vector<16xf32>,
    %get3A_194 = vector.shape_cast %get3A_193 : vector<16xf32> to vector<16xf32>
    %add3A_195 = arith.addf %get3A_191, %get3A_194 : vector<16xf32>
    %swap3A_196 = arith.constant 32 : index
    %swap3A_197 = tpu.vector_load %arg11[%swap3A_196] {strides = array<i32>} : memref<512xf32, #tpu.memory_space<vmem>>, vector<16xf32>,
    %swap3A_198 = vector.shape_cast %swap3A_197 : vector<16xf32> to vector<16xf32>
    %swap3A_199 = vector.shape_cast %add3A_195 : vector<16xf32> to vector<16xf32>
    tpu.vector_store %arg11[%swap3A_196], %swap3A_199 {strides = array<i32>} : memref<512xf32, #tpu.memory_space<vmem>>, vector<16xf32>,
    %get3A_200 = arith.constant 48 : index
    %get3A_201 = tpu.vector_load %arg9[%get3A_200] {strides = array<i32>} : memref<512xf32, #tpu.memory_space<vmem>>, vector<16xf32>,
    %get3A_202 = vector.shape_cast %get3A_201 : vector<16xf32> to vector<16xf32>
    %get3A_203 = arith.constant 48 : index
    %get3A_204 = tpu.vector_load %arg10[%get3A_203] {strides = array<i32>} : memref<512xf32, #tpu.memory_space<vmem>>, vector<16xf32>,
    %get3A_205 = vector.shape_cast %get3A_204 : vector<16xf32> to vector<16xf32>
    %add3A_206 = arith.addf %get3A_202, %get3A_205 : vector<16xf32>
    %swap3A_207 = arith.constant 48 : index
    %swap3A_208 = tpu.vector_load %arg11[%swap3A_207] {strides = array<i32>} : memref<512xf32, #tpu.memory_space<vmem>>, vector<16xf32>,
    %swap3A_209 = vector.shape_cast %swap3A_208 : vector<16xf32> to vector<16xf32>
    %swap3A_210 = vector.shape_cast %add3A_206 : vector<16xf32> to vector<16xf32>
    tpu.vector_store %arg11[%swap3A_207], %swap3A_210 {strides = array<i32>} : memref<512xf32, #tpu.memory_space<vmem>>, vector<16xf32>,
    %get3A_211 = arith.constant 64 : index
    %get3A_212 = tpu.vector_load %arg9[%get3A_211] {strides = array<i32>} : memref<512xf32, #tpu.memory_space<vmem>>, vector<16xf32>,
    %get3A_213 = vector.shape_cast %get3A_212 : vector<16xf32> to vector<16xf32>
    %get3A_214 = arith.constant 64 : index
    %get3A_215 = tpu.vector_load %arg10[%get3A_214] {strides = array<i32>} : memref<512xf32, #tpu.memory_space<vmem>>, vector<16xf32>,
    %get3A_216 = vector.shape_cast %get3A_215 : vector<16xf32> to vector<16xf32>
    %add3A_217 = arith.addf %get3A_213, %get3A_216 : vector<16xf32>
    %swap3A_218 = arith.constant 64 : index
    %swap3A_219 = tpu.vector_load %arg11[%swap3A_218] {strides = array<i32>} : memref<512xf32, #tpu.memory_space<vmem>>, vector<16xf32>,
    %swap3A_220 = vector.shape_cast %swap3A_219 : vector<16xf32> to vector<16xf32>
    %swap3A_221 = vector.shape_cast %add3A_217 : vector<16xf32> to vector<16xf32>
    tpu.vector_store %arg11[%swap3A_218], %swap3A_221 {strides = array<i32>} : memref<512xf32, #tpu.memory_space<vmem>>, vector<16xf32>,
    %get3A_222 = arith.constant 80 : index
    %get3A_223 = tpu.vector_load %arg9[%get3A_222] {strides = array<i32>} : memref<512xf32, #tpu.memory_space<vmem>>, vector<16xf32>,
    %get3A_224 = vector.shape_cast %get3A_223 : vector<16xf32> to vector<16xf32>
    %get3A_225 = arith.constant 80 : index
    %get3A_226 = tpu.vector_load %arg10[%get3A_225] {strides = array<i32>} : memref<512xf32, #tpu.memory_space<vmem>>, vector<16xf32>,
    %get3A_227 = vector.shape_cast %get3A_226 : vector<16xf32> to vector<16xf32>
    %add3A_228 = arith.addf %get3A_224, %get3A_227 : vector<16xf32>
    %swap3A_229 = arith.constant 80 : index
    %swap3A_230 = tpu.vector_load %arg11[%swap3A_229] {strides = array<i32>} : memref<512xf32, #tpu.memory_space<vmem>>, vector<16xf32>,
    %swap3A_231 = vector.shape_cast %swap3A_230 : vector<16xf32> to vector<16xf32>
    %swap3A_232 = vector.shape_cast %add3A_228 : vector<16xf32> to vector<16xf32>
    tpu.vector_store %arg11[%swap3A_229], %swap3A_232 {strides = array<i32>} : memref<512xf32, #tpu.memory_space<vmem>>, vector<16xf32>,
    %get3A_233 = arith.constant 96 : index
    %get3A_234 = tpu.vector_load %arg9[%get3A_233] {strides = array<i32>} : memref<512xf32, #tpu.memory_space<vmem>>, vector<16xf32>,
    %get3A_235 = vector.shape_cast %get3A_234 : vector<16xf32> to vector<16xf32>
    %get3A_236 = arith.constant 96 : index
    %get3A_237 = tpu.vector_load %arg10[%get3A_236] {strides = array<i32>} : memref<512xf32, #tpu.memory_space<vmem>>, vector<16xf32>,
    %get3A_238 = vector.shape_cast %get3A_237 : vector<16xf32> to vector<16xf32>
    %add3A_239 = arith.addf %get3A_235, %get3A_238 : vector<16xf32>
    %swap3A_240 = arith.constant 96 : index
    %swap3A_241 = tpu.vector_load %arg11[%swap3A_240] {strides = array<i32>} : memref<512xf32, #tpu.memory_space<vmem>>, vector<16xf32>,
    %swap3A_242 = vector.shape_cast %swap3A_241 : vector<16xf32> to vector<16xf32>
    %swap3A_243 = vector.shape_cast %add3A_239 : vector<16xf32> to vector<16xf32>
    tpu.vector_store %arg11[%swap3A_240], %swap3A_243 {strides = array<i32>} : memref<512xf32, #tpu.memory_space<vmem>>, vector<16xf32>,
    %get3A_244 = arith.constant 112 : index
    %get3A_245 = tpu.vector_load %arg9[%get3A_244] {strides = array<i32>} : memref<512xf32, #tpu.memory_space<vmem>>, vector<16xf32>,
    %get3A_246 = vector.shape_cast %get3A_245 : vector<16xf32> to vector<16xf32>
    %get3A_247 = arith.constant 112 : index
    %get3A_248 = tpu.vector_load %arg10[%get3A_247] {strides = array<i32>} : memref<512xf32, #tpu.memory_space<vmem>>, vector<16xf32>,
    %get3A_249 = vector.shape_cast %get3A_248 : vector<16xf32> to vector<16xf32>
    %add3A_250 = arith.addf %get3A_246, %get3A_249 : vector<16xf32>
    %swap3A_251 = arith.constant 112 : index
    %swap3A_252 = tpu.vector_load %arg11[%swap3A_251] {strides = array<i32>} : memref<512xf32, #tpu.memory_space<vmem>>, vector<16xf32>,
    %swap3A_253 = vector.shape_cast %swap3A_252 : vector<16xf32> to vector<16xf32>
    %swap3A_254 = vector.shape_cast %add3A_250 : vector<16xf32> to vector<16xf32>
    tpu.vector_store %arg11[%swap3A_251], %swap3A_254 {strides = array<i32>} : memref<512xf32, #tpu.memory_space<vmem>>, vector<16xf32>,
    %get3A_255 = arith.constant 128 : index
    %get3A_256 = tpu.vector_load %arg9[%get3A_255] {strides = array<i32>} : memref<512xf32, #tpu.memory_space<vmem>>, vector<16xf32>,
    %get3A_257 = vector.shape_cast %get3A_256 : vector<16xf32> to vector<16xf32>
    %get3A_258 = arith.constant 128 : index
    %get3A_259 = tpu.vector_load %arg10[%get3A_258] {strides = array<i32>} : memref<512xf32, #tpu.memory_space<vmem>>, vector<16xf32>,
    %get3A_260 = vector.shape_cast %get3A_259 : vector<16xf32> to vector<16xf32>
    %add3A_261 = arith.addf %get3A_257, %get3A_260 : vector<16xf32>
    %swap3A_262 = arith.constant 128 : index
    %swap3A_263 = tpu.vector_load %arg11[%swap3A_262] {strides = array<i32>} : memref<512xf32, #tpu.memory_space<vmem>>, vector<16xf32>,
    %swap3A_264 = vector.shape_cast %swap3A_263 : vector<16xf32> to vector<16xf32>
    %swap3A_265 = vector.shape_cast %add3A_261 : vector<16xf32> to vector<16xf32>
    tpu.vector_store %arg11[%swap3A_262], %swap3A_265 {strides = array<i32>} : memref<512xf32, #tpu.memory_space<vmem>>, vector<16xf32>,
    %get3A_266 = arith.constant 144 : index
    %get3A_267 = tpu.vector_load %arg9[%get3A_266] {strides = array<i32>} : memref<512xf32, #tpu.memory_space<vmem>>, vector<16xf32>,
    %get3A_268 = vector.shape_cast %get3A_267 : vector<16xf32> to vector<16xf32>
    %get3A_269 = arith.constant 144 : index
    %get3A_270 = tpu.vector_load %arg10[%get3A_269] {strides = array<i32>} : memref<512xf32, #tpu.memory_space<vmem>>, vector<16xf32>,
    %get3A_271 = vector.shape_cast %get3A_270 : vector<16xf32> to vector<16xf32>
    %add3A_272 = arith.addf %get3A_268, %get3A_271 : vector<16xf32>
    %swap3A_273 = arith.constant 144 : index
    %swap3A_274 = tpu.vector_load %arg11[%swap3A_273] {strides = array<i32>} : memref<512xf32, #tpu.memory_space<vmem>>, vector<16xf32>,
    %swap3A_275 = vector.shape_cast %swap3A_274 : vector<16xf32> to vector<16xf32>
    %swap3A_276 = vector.shape_cast %add3A_272 : vector<16xf32> to vector<16xf32>
    tpu.vector_store %arg11[%swap3A_273], %swap3A_276 {strides = array<i32>} : memref<512xf32, #tpu.memory_space<vmem>>, vector<16xf32>,
    %get3A_277 = arith.constant 160 : index
    %get3A_278 = tpu.vector_load %arg9[%get3A_277] {strides = array<i32>} : memref<512xf32, #tpu.memory_space<vmem>>, vector<16xf32>,
    %get3A_279 = vector.shape_cast %get3A_278 : vector<16xf32> to vector<16xf32>
    %get3A_280 = arith.constant 160 : index
    %get3A_281 = tpu.vector_load %arg10[%get3A_280] {strides = array<i32>} : memref<512xf32, #tpu.memory_space<vmem>>, vector<16xf32>,
    %get3A_282 = vector.shape_cast %get3A_281 : vector<16xf32> to vector<16xf32>
    %add3A_283 = arith.addf %get3A_279, %get3A_282 : vector<16xf32>
    %swap3A_284 = arith.constant 160 : index
    %swap3A_285 = tpu.vector_load %arg11[%swap3A_284] {strides = array<i32>} : memref<512xf32, #tpu.memory_space<vmem>>, vector<16xf32>,
    %swap3A_286 = vector.shape_cast %swap3A_285 : vector<16xf32> to vector<16xf32>
    %swap3A_287 = vector.shape_cast %add3A_283 : vector<16xf32> to vector<16xf32>
    tpu.vector_store %arg11[%swap3A_284], %swap3A_287 {strides = array<i32>} : memref<512xf32, #tpu.memory_space<vmem>>, vector<16xf32>,
    %get3A_288 = arith.constant 176 : index
    %get3A_289 = tpu.vector_load %arg9[%get3A_288] {strides = array<i32>} : memref<512xf32, #tpu.memory_space<vmem>>, vector<16xf32>,
    %get3A_290 = vector.shape_cast %get3A_289 : vector<16xf32> to vector<16xf32>
    %get3A_291 = arith.constant 176 : index
    %get3A_292 = tpu.vector_load %arg10[%get3A_291] {strides = array<i32>} : memref<512xf32, #tpu.memory_space<vmem>>, vector<16xf32>,
    %get3A_293 = vector.shape_cast %get3A_292 : vector<16xf32> to vector<16xf32>
    %add3A_294 = arith.addf %get3A_290, %get3A_293 : vector<16xf32>
    %swap3A_295 = arith.constant 176 : index
    %swap3A_296 = tpu.vector_load %arg11[%swap3A_295] {strides = array<i32>} : memref<512xf32, #tpu.memory_space<vmem>>, vector<16xf32>,
    %swap3A_297 = vector.shape_cast %swap3A_296 : vector<16xf32> to vector<16xf32>
    %swap3A_298 = vector.shape_cast %add3A_294 : vector<16xf32> to vector<16xf32>
    tpu.vector_store %arg11[%swap3A_295], %swap3A_298 {strides = array<i32>} : memref<512xf32, #tpu.memory_space<vmem>>, vector<16xf32>,
    %get3A_299 = arith.constant 192 : index
    %get3A_300 = tpu.vector_load %arg9[%get3A_299] {strides = array<i32>} : memref<512xf32, #tpu.memory_space<vmem>>, vector<16xf32>,
    %get3A_301 = vector.shape_cast %get3A_300 : vector<16xf32> to vector<16xf32>
    %get3A_302 = arith.constant 192 : index
    %get3A_303 = tpu.vector_load %arg10[%get3A_302] {strides = array<i32>} : memref<512xf32, #tpu.memory_space<vmem>>, vector<16xf32>,
    %get3A_304 = vector.shape_cast %get3A_303 : vector<16xf32> to vector<16xf32>
    %add3A_305 = arith.addf %get3A_301, %get3A_304 : vector<16xf32>
    %swap3A_306 = arith.constant 192 : index
    %swap3A_307 = tpu.vector_load %arg11[%swap3A_306] {strides = array<i32>} : memref<512xf32, #tpu.memory_space<vmem>>, vector<16xf32>,
    %swap3A_308 = vector.shape_cast %swap3A_307 : vector<16xf32> to vector<16xf32>
    %swap3A_309 = vector.shape_cast %add3A_305 : vector<16xf32> to vector<16xf32>
    tpu.vector_store %arg11[%swap3A_306], %swap3A_309 {strides = array<i32>} : memref<512xf32, #tpu.memory_space<vmem>>, vector<16xf32>,
    %get3A_310 = arith.constant 208 : index
    %get3A_311 = tpu.vector_load %arg9[%get3A_310] {strides = array<i32>} : memref<512xf32, #tpu.memory_space<vmem>>, vector<16xf32>,
    %get3A_312 = vector.shape_cast %get3A_311 : vector<16xf32> to vector<16xf32>
    %get3A_313 = arith.constant 208 : index
    %get3A_314 = tpu.vector_load %arg10[%get3A_313] {strides = array<i32>} : memref<512xf32, #tpu.memory_space<vmem>>, vector<16xf32>,
    %get3A_315 = vector.shape_cast %get3A_314 : vector<16xf32> to vector<16xf32>
    %add3A_316 = arith.addf %get3A_312, %get3A_315 : vector<16xf32>
    %swap3A_317 = arith.constant 208 : index
    %swap3A_318 = tpu.vector_load %arg11[%swap3A_317] {strides = array<i32>} : memref<512xf32, #tpu.memory_space<vmem>>, vector<16xf32>,
    %swap3A_319 = vector.shape_cast %swap3A_318 : vector<16xf32> to vector<16xf32>
    %swap3A_320 = vector.shape_cast %add3A_316 : vector<16xf32> to vector<16xf32>
    tpu.vector_store %arg11[%swap3A_317], %swap3A_320 {strides = array<i32>} : memref<512xf32, #tpu.memory_space<vmem>>, vector<16xf32>,
    %get3A_321 = arith.constant 224 : index
    %get3A_322 = tpu.vector_load %arg9[%get3A_321] {strides = array<i32>} : memref<512xf32, #tpu.memory_space<vmem>>, vector<16xf32>,
    %get3A_323 = vector.shape_cast %get3A_322 : vector<16xf32> to vector<16xf32>
    %get3A_324 = arith.constant 224 : index
    %get3A_325 = tpu.vector_load %arg10[%get3A_324] {strides = array<i32>} : memref<512xf32, #tpu.memory_space<vmem>>, vector<16xf32>,
    %get3A_326 = vector.shape_cast %get3A_325 : vector<16xf32> to vector<16xf32>
    %add3A_327 = arith.addf %get3A_323, %get3A_326 : vector<16xf32>
    %swap3A_328 = arith.constant 224 : index
    %swap3A_329 = tpu.vector_load %arg11[%swap3A_328] {strides = array<i32>} : memref<512xf32, #tpu.memory_space<vmem>>, vector<16xf32>,
    %swap3A_330 = vector.shape_cast %swap3A_329 : vector<16xf32> to vector<16xf32>
    %swap3A_331 = vector.shape_cast %add3A_327 : vector<16xf32> to vector<16xf32>
    tpu.vector_store %arg11[%swap3A_328], %swap3A_331 {strides = array<i32>} : memref<512xf32, #tpu.memory_space<vmem>>, vector<16xf32>,
    %get3A_332 = arith.constant 240 : index
    %get3A_333 = tpu.vector_load %arg9[%get3A_332] {strides = array<i32>} : memref<512xf32, #tpu.memory_space<vmem>>, vector<16xf32>,
    %get3A_334 = vector.shape_cast %get3A_333 : vector<16xf32> to vector<16xf32>
    %get3A_335 = arith.constant 240 : index
    %get3A_336 = tpu.vector_load %arg10[%get3A_335] {strides = array<i32>} : memref<512xf32, #tpu.memory_space<vmem>>, vector<16xf32>,
    %get3A_337 = vector.shape_cast %get3A_336 : vector<16xf32> to vector<16xf32>
    %add3A_338 = arith.addf %get3A_334, %get3A_337 : vector<16xf32>
    %swap3A_339 = arith.constant 240 : index
    %swap3A_340 = tpu.vector_load %arg11[%swap3A_339] {strides = array<i32>} : memref<512xf32, #tpu.memory_space<vmem>>, vector<16xf32>,
    %swap3A_341 = vector.shape_cast %swap3A_340 : vector<16xf32> to vector<16xf32>
    %swap3A_342 = vector.shape_cast %add3A_338 : vector<16xf32> to vector<16xf32>
    tpu.vector_store %arg11[%swap3A_339], %swap3A_342 {strides = array<i32>} : memref<512xf32, #tpu.memory_space<vmem>>, vector<16xf32>,
    %get3A_343 = arith.constant 256 : index
    %get3A_344 = tpu.vector_load %arg9[%get3A_343] {strides = array<i32>} : memref<512xf32, #tpu.memory_space<vmem>>, vector<16xf32>,
    %get3A_345 = vector.shape_cast %get3A_344 : vector<16xf32> to vector<16xf32>
    %get3A_346 = arith.constant 256 : index
    %get3A_347 = tpu.vector_load %arg10[%get3A_346] {strides = array<i32>} : memref<512xf32, #tpu.memory_space<vmem>>, vector<16xf32>,
    %get3A_348 = vector.shape_cast %get3A_347 : vector<16xf32> to vector<16xf32>
    %add3A_349 = arith.addf %get3A_345, %get3A_348 : vector<16xf32>
    %swap3A_350 = arith.constant 256 : index
    %swap3A_351 = tpu.vector_load %arg11[%swap3A_350] {strides = array<i32>} : memref<512xf32, #tpu.memory_space<vmem>>, vector<16xf32>,
    %swap3A_352 = vector.shape_cast %swap3A_351 : vector<16xf32> to vector<16xf32>
    %swap3A_353 = vector.shape_cast %add3A_349 : vector<16xf32> to vector<16xf32>
    tpu.vector_store %arg11[%swap3A_350], %swap3A_353 {strides = array<i32>} : memref<512xf32, #tpu.memory_space<vmem>>, vector<16xf32>,
    %get3A_354 = arith.constant 272 : index
    %get3A_355 = tpu.vector_load %arg9[%get3A_354] {strides = array<i32>} : memref<512xf32, #tpu.memory_space<vmem>>, vector<16xf32>,
    %get3A_356 = vector.shape_cast %get3A_355 : vector<16xf32> to vector<16xf32>
    %get3A_357 = arith.constant 272 : index
    %get3A_358 = tpu.vector_load %arg10[%get3A_357] {strides = array<i32>} : memref<512xf32, #tpu.memory_space<vmem>>, vector<16xf32>,
    %get3A_359 = vector.shape_cast %get3A_358 : vector<16xf32> to vector<16xf32>
    %add3A_360 = arith.addf %get3A_356, %get3A_359 : vector<16xf32>
    %swap3A_361 = arith.constant 272 : index
    %swap3A_362 = tpu.vector_load %arg11[%swap3A_361] {strides = array<i32>} : memref<512xf32, #tpu.memory_space<vmem>>, vector<16xf32>,
    %swap3A_363 = vector.shape_cast %swap3A_362 : vector<16xf32> to vector<16xf32>
    %swap3A_364 = vector.shape_cast %add3A_360 : vector<16xf32> to vector<16xf32>
    tpu.vector_store %arg11[%swap3A_361], %swap3A_364 {strides = array<i32>} : memref<512xf32, #tpu.memory_space<vmem>>, vector<16xf32>,
    %get3A_365 = arith.constant 288 : index
    %get3A_366 = tpu.vector_load %arg9[%get3A_365] {strides = array<i32>} : memref<512xf32, #tpu.memory_space<vmem>>, vector<16xf32>,
    %get3A_367 = vector.shape_cast %get3A_366 : vector<16xf32> to vector<16xf32>
    %get3A_368 = arith.constant 288 : index
    %get3A_369 = tpu.vector_load %arg10[%get3A_368] {strides = array<i32>} : memref<512xf32, #tpu.memory_space<vmem>>, vector<16xf32>,
    %get3A_370 = vector.shape_cast %get3A_369 : vector<16xf32> to vector<16xf32>
    %add3A_371 = arith.addf %get3A_367, %get3A_370 : vector<16xf32>
    %swap3A_372 = arith.constant 288 : index
    %swap3A_373 = tpu.vector_load %arg11[%swap3A_372] {strides = array<i32>} : memref<512xf32, #tpu.memory_space<vmem>>, vector<16xf32>,
    %swap3A_374 = vector.shape_cast %swap3A_373 : vector<16xf32> to vector<16xf32>
    %swap3A_375 = vector.shape_cast %add3A_371 : vector<16xf32> to vector<16xf32>
    tpu.vector_store %arg11[%swap3A_372], %swap3A_375 {strides = array<i32>} : memref<512xf32, #tpu.memory_space<vmem>>, vector<16xf32>,
    %get3A_376 = arith.constant 304 : index
    %get3A_377 = tpu.vector_load %arg9[%get3A_376] {strides = array<i32>} : memref<512xf32, #tpu.memory_space<vmem>>, vector<16xf32>,
    %get3A_378 = vector.shape_cast %get3A_377 : vector<16xf32> to vector<16xf32>
    %get3A_379 = arith.constant 304 : index
    %get3A_380 = tpu.vector_load %arg10[%get3A_379] {strides = array<i32>} : memref<512xf32, #tpu.memory_space<vmem>>, vector<16xf32>,
    %get3A_381 = vector.shape_cast %get3A_380 : vector<16xf32> to vector<16xf32>
    %add3A_382 = arith.addf %get3A_378, %get3A_381 : vector<16xf32>
    %swap3A_383 = arith.constant 304 : index
    %swap3A_384 = tpu.vector_load %arg11[%swap3A_383] {strides = array<i32>} : memref<512xf32, #tpu.memory_space<vmem>>, vector<16xf32>,
    %swap3A_385 = vector.shape_cast %swap3A_384 : vector<16xf32> to vector<16xf32>
    %swap3A_386 = vector.shape_cast %add3A_382 : vector<16xf32> to vector<16xf32>
    tpu.vector_store %arg11[%swap3A_383], %swap3A_386 {strides = array<i32>} : memref<512xf32, #tpu.memory_space<vmem>>, vector<16xf32>,
    %get3A_387 = arith.constant 320 : index
    %get3A_388 = tpu.vector_load %arg9[%get3A_387] {strides = array<i32>} : memref<512xf32, #tpu.memory_space<vmem>>, vector<16xf32>,
    %get3A_389 = vector.shape_cast %get3A_388 : vector<16xf32> to vector<16xf32>
    %get3A_390 = arith.constant 320 : index
    %get3A_391 = tpu.vector_load %arg10[%get3A_390] {strides = array<i32>} : memref<512xf32, #tpu.memory_space<vmem>>, vector<16xf32>,
    %get3A_392 = vector.shape_cast %get3A_391 : vector<16xf32> to vector<16xf32>
    %add3A_393 = arith.addf %get3A_389, %get3A_392 : vector<16xf32>
    %swap3A_394 = arith.constant 320 : index
    %swap3A_395 = tpu.vector_load %arg11[%swap3A_394] {strides = array<i32>} : memref<512xf32, #tpu.memory_space<vmem>>, vector<16xf32>,
    %swap3A_396 = vector.shape_cast %swap3A_395 : vector<16xf32> to vector<16xf32>
    %swap3A_397 = vector.shape_cast %add3A_393 : vector<16xf32> to vector<16xf32>
    tpu.vector_store %arg11[%swap3A_394], %swap3A_397 {strides = array<i32>} : memref<512xf32, #tpu.memory_space<vmem>>, vector<16xf32>,
    %get3A_398 = arith.constant 336 : index
    %get3A_399 = tpu.vector_load %arg9[%get3A_398] {strides = array<i32>} : memref<512xf32, #tpu.memory_space<vmem>>, vector<16xf32>,
    %get3A_400 = vector.shape_cast %get3A_399 : vector<16xf32> to vector<16xf32>
    %get3A_401 = arith.constant 336 : index
    %get3A_402 = tpu.vector_load %arg10[%get3A_401] {strides = array<i32>} : memref<512xf32, #tpu.memory_space<vmem>>, vector<16xf32>,
    %get3A_403 = vector.shape_cast %get3A_402 : vector<16xf32> to vector<16xf32>
    %add3A_404 = arith.addf %get3A_400, %get3A_403 : vector<16xf32>
    %swap3A_405 = arith.constant 336 : index
    %swap3A_406 = tpu.vector_load %arg11[%swap3A_405] {strides = array<i32>} : memref<512xf32, #tpu.memory_space<vmem>>, vector<16xf32>,
    %swap3A_407 = vector.shape_cast %swap3A_406 : vector<16xf32> to vector<16xf32>
    %swap3A_408 = vector.shape_cast %add3A_404 : vector<16xf32> to vector<16xf32>
    tpu.vector_store %arg11[%swap3A_405], %swap3A_408 {strides = array<i32>} : memref<512xf32, #tpu.memory_space<vmem>>, vector<16xf32>,
    %get3A_409 = arith.constant 352 : index
    %get3A_410 = tpu.vector_load %arg9[%get3A_409] {strides = array<i32>} : memref<512xf32, #tpu.memory_space<vmem>>, vector<16xf32>,
    %get3A_411 = vector.shape_cast %get3A_410 : vector<16xf32> to vector<16xf32>
    %get3A_412 = arith.constant 352 : index
    %get3A_413 = tpu.vector_load %arg10[%get3A_412] {strides = array<i32>} : memref<512xf32, #tpu.memory_space<vmem>>, vector<16xf32>,
    %get3A_414 = vector.shape_cast %get3A_413 : vector<16xf32> to vector<16xf32>
    %add3A_415 = arith.addf %get3A_411, %get3A_414 : vector<16xf32>
    %swap3A_416 = arith.constant 352 : index
    %swap3A_417 = tpu.vector_load %arg11[%swap3A_416] {strides = array<i32>} : memref<512xf32, #tpu.memory_space<vmem>>, vector<16xf32>,
    %swap3A_418 = vector.shape_cast %swap3A_417 : vector<16xf32> to vector<16xf32>
    %swap3A_419 = vector.shape_cast %add3A_415 : vector<16xf32> to vector<16xf32>
    tpu.vector_store %arg11[%swap3A_416], %swap3A_419 {strides = array<i32>} : memref<512xf32, #tpu.memory_space<vmem>>, vector<16xf32>,
    %get3A_420 = arith.constant 368 : index
    %get3A_421 = tpu.vector_load %arg9[%get3A_420] {strides = array<i32>} : memref<512xf32, #tpu.memory_space<vmem>>, vector<16xf32>,
    %get3A_422 = vector.shape_cast %get3A_421 : vector<16xf32> to vector<16xf32>
    %get3A_423 = arith.constant 368 : index
    %get3A_424 = tpu.vector_load %arg10[%get3A_423] {strides = array<i32>} : memref<512xf32, #tpu.memory_space<vmem>>, vector<16xf32>,
    %get3A_425 = vector.shape_cast %get3A_424 : vector<16xf32> to vector<16xf32>
    %add3A_426 = arith.addf %get3A_422, %get3A_425 : vector<16xf32>
    %swap3A_427 = arith.constant 368 : index
    %swap3A_428 = tpu.vector_load %arg11[%swap3A_427] {strides = array<i32>} : memref<512xf32, #tpu.memory_space<vmem>>, vector<16xf32>,
    %swap3A_429 = vector.shape_cast %swap3A_428 : vector<16xf32> to vector<16xf32>
    %swap3A_430 = vector.shape_cast %add3A_426 : vector<16xf32> to vector<16xf32>
    tpu.vector_store %arg11[%swap3A_427], %swap3A_430 {strides = array<i32>} : memref<512xf32, #tpu.memory_space<vmem>>, vector<16xf32>,
    %get3A_431 = arith.constant 384 : index
    %get3A_432 = tpu.vector_load %arg9[%get3A_431] {strides = array<i32>} : memref<512xf32, #tpu.memory_space<vmem>>, vector<16xf32>,
    %get3A_433 = vector.shape_cast %get3A_432 : vector<16xf32> to vector<16xf32>
    %get3A_434 = arith.constant 384 : index
    %get3A_435 = tpu.vector_load %arg10[%get3A_434] {strides = array<i32>} : memref<512xf32, #tpu.memory_space<vmem>>, vector<16xf32>,
    %get3A_436 = vector.shape_cast %get3A_435 : vector<16xf32> to vector<16xf32>
    %add3A_437 = arith.addf %get3A_433, %get3A_436 : vector<16xf32>
    %swap3A_438 = arith.constant 384 : index
    %swap3A_439 = tpu.vector_load %arg11[%swap3A_438] {strides = array<i32>} : memref<512xf32, #tpu.memory_space<vmem>>, vector<16xf32>,
    %swap3A_440 = vector.shape_cast %swap3A_439 : vector<16xf32> to vector<16xf32>
    %swap3A_441 = vector.shape_cast %add3A_437 : vector<16xf32> to vector<16xf32>
    tpu.vector_store %arg11[%swap3A_438], %swap3A_441 {strides = array<i32>} : memref<512xf32, #tpu.memory_space<vmem>>, vector<16xf32>,
    %get3A_442 = arith.constant 400 : index
    %get3A_443 = tpu.vector_load %arg9[%get3A_442] {strides = array<i32>} : memref<512xf32, #tpu.memory_space<vmem>>, vector<16xf32>,
    %get3A_444 = vector.shape_cast %get3A_443 : vector<16xf32> to vector<16xf32>
    %get3A_445 = arith.constant 400 : index
    %get3A_446 = tpu.vector_load %arg10[%get3A_445] {strides = array<i32>} : memref<512xf32, #tpu.memory_space<vmem>>, vector<16xf32>,
    %get3A_447 = vector.shape_cast %get3A_446 : vector<16xf32> to vector<16xf32>
    %add3A_448 = arith.addf %get3A_444, %get3A_447 : vector<16xf32>
    %swap3A_449 = arith.constant 400 : index
    %swap3A_450 = tpu.vector_load %arg11[%swap3A_449] {strides = array<i32>} : memref<512xf32, #tpu.memory_space<vmem>>, vector<16xf32>,
    %swap3A_451 = vector.shape_cast %swap3A_450 : vector<16xf32> to vector<16xf32>
    %swap3A_452 = vector.shape_cast %add3A_448 : vector<16xf32> to vector<16xf32>
    tpu.vector_store %arg11[%swap3A_449], %swap3A_452 {strides = array<i32>} : memref<512xf32, #tpu.memory_space<vmem>>, vector<16xf32>,
    %get3A_453 = arith.constant 416 : index
    %get3A_454 = tpu.vector_load %arg9[%get3A_453] {strides = array<i32>} : memref<512xf32, #tpu.memory_space<vmem>>, vector<16xf32>,
    %get3A_455 = vector.shape_cast %get3A_454 : vector<16xf32> to vector<16xf32>
    %get3A_456 = arith.constant 416 : index
    %get3A_457 = tpu.vector_load %arg10[%get3A_456] {strides = array<i32>} : memref<512xf32, #tpu.memory_space<vmem>>, vector<16xf32>,
    %get3A_458 = vector.shape_cast %get3A_457 : vector<16xf32> to vector<16xf32>
    %add3A_459 = arith.addf %get3A_455, %get3A_458 : vector<16xf32>
    %swap3A_460 = arith.constant 416 : index
    %swap3A_461 = tpu.vector_load %arg11[%swap3A_460] {strides = array<i32>} : memref<512xf32, #tpu.memory_space<vmem>>, vector<16xf32>,
    %swap3A_462 = vector.shape_cast %swap3A_461 : vector<16xf32> to vector<16xf32>
    %swap3A_463 = vector.shape_cast %add3A_459 : vector<16xf32> to vector<16xf32>
    tpu.vector_store %arg11[%swap3A_460], %swap3A_463 {strides = array<i32>} : memref<512xf32, #tpu.memory_space<vmem>>, vector<16xf32>,
    %get3A_464 = arith.constant 432 : index
    %get3A_465 = tpu.vector_load %arg9[%get3A_464] {strides = array<i32>} : memref<512xf32, #tpu.memory_space<vmem>>, vector<16xf32>,
    %get3A_466 = vector.shape_cast %get3A_465 : vector<16xf32> to vector<16xf32>
    %get3A_467 = arith.constant 432 : index
    %get3A_468 = tpu.vector_load %arg10[%get3A_467] {strides = array<i32>} : memref<512xf32, #tpu.memory_space<vmem>>, vector<16xf32>,
    %get3A_469 = vector.shape_cast %get3A_468 : vector<16xf32> to vector<16xf32>
    %add3A_470 = arith.addf %get3A_466, %get3A_469 : vector<16xf32>
    %swap3A_471 = arith.constant 432 : index
    %swap3A_472 = tpu.vector_load %arg11[%swap3A_471] {strides = array<i32>} : memref<512xf32, #tpu.memory_space<vmem>>, vector<16xf32>,
    %swap3A_473 = vector.shape_cast %swap3A_472 : vector<16xf32> to vector<16xf32>
    %swap3A_474 = vector.shape_cast %add3A_470 : vector<16xf32> to vector<16xf32>
    tpu.vector_store %arg11[%swap3A_471], %swap3A_474 {strides = array<i32>} : memref<512xf32, #tpu.memory_space<vmem>>, vector<16xf32>,
    %get3A_475 = arith.constant 448 : index
    %get3A_476 = tpu.vector_load %arg9[%get3A_475] {strides = array<i32>} : memref<512xf32, #tpu.memory_space<vmem>>, vector<16xf32>,
    %get3A_477 = vector.shape_cast %get3A_476 : vector<16xf32> to vector<16xf32>
    %get3A_478 = arith.constant 448 : index
    %get3A_479 = tpu.vector_load %arg10[%get3A_478] {strides = array<i32>} : memref<512xf32, #tpu.memory_space<vmem>>, vector<16xf32>,
    %get3A_480 = vector.shape_cast %get3A_479 : vector<16xf32> to vector<16xf32>
    %add3A_481 = arith.addf %get3A_477, %get3A_480 : vector<16xf32>
    %swap3A_482 = arith.constant 448 : index
    %swap3A_483 = tpu.vector_load %arg11[%swap3A_482] {strides = array<i32>} : memref<512xf32, #tpu.memory_space<vmem>>, vector<16xf32>,
    %swap3A_484 = vector.shape_cast %swap3A_483 : vector<16xf32> to vector<16xf32>
    %swap3A_485 = vector.shape_cast %add3A_481 : vector<16xf32> to vector<16xf32>
    tpu.vector_store %arg11[%swap3A_482], %swap3A_485 {strides = array<i32>} : memref<512xf32, #tpu.memory_space<vmem>>, vector<16xf32>,
    %get3A_486 = arith.constant 464 : index
    %get3A_487 = tpu.vector_load %arg9[%get3A_486] {strides = array<i32>} : memref<512xf32, #tpu.memory_space<vmem>>, vector<16xf32>,
    %get3A_488 = vector.shape_cast %get3A_487 : vector<16xf32> to vector<16xf32>
    %get3A_489 = arith.constant 464 : index
    %get3A_490 = tpu.vector_load %arg10[%get3A_489] {strides = array<i32>} : memref<512xf32, #tpu.memory_space<vmem>>, vector<16xf32>,
    %get3A_491 = vector.shape_cast %get3A_490 : vector<16xf32> to vector<16xf32>
    %add3A_492 = arith.addf %get3A_488, %get3A_491 : vector<16xf32>
    %swap3A_493 = arith.constant 464 : index
    %swap3A_494 = tpu.vector_load %arg11[%swap3A_493] {strides = array<i32>} : memref<512xf32, #tpu.memory_space<vmem>>, vector<16xf32>,
    %swap3A_495 = vector.shape_cast %swap3A_494 : vector<16xf32> to vector<16xf32>
    %swap3A_496 = vector.shape_cast %add3A_492 : vector<16xf32> to vector<16xf32>
    tpu.vector_store %arg11[%swap3A_493], %swap3A_496 {strides = array<i32>} : memref<512xf32, #tpu.memory_space<vmem>>, vector<16xf32>,
    %get3A_497 = arith.constant 480 : index
    %get3A_498 = tpu.vector_load %arg9[%get3A_497] {strides = array<i32>} : memref<512xf32, #tpu.memory_space<vmem>>, vector<16xf32>,
    %get3A_499 = vector.shape_cast %get3A_498 : vector<16xf32> to vector<16xf32>
    %get3A_500 = arith.constant 480 : index
    %get3A_501 = tpu.vector_load %arg10[%get3A_500] {strides = array<i32>} : memref<512xf32, #tpu.memory_space<vmem>>, vector<16xf32>,
    %get3A_502 = vector.shape_cast %get3A_501 : vector<16xf32> to vector<16xf32>
    %add3A_503 = arith.addf %get3A_499, %get3A_502 : vector<16xf32>
    %swap3A_504 = arith.constant 480 : index
    %swap3A_505 = tpu.vector_load %arg11[%swap3A_504] {strides = array<i32>} : memref<512xf32, #tpu.memory_space<vmem>>, vector<16xf32>,
    %swap3A_506 = vector.shape_cast %swap3A_505 : vector<16xf32> to vector<16xf32>
    %swap3A_507 = vector.shape_cast %add3A_503 : vector<16xf32> to vector<16xf32>
    tpu.vector_store %arg11[%swap3A_504], %swap3A_507 {strides = array<i32>} : memref<512xf32, #tpu.memory_space<vmem>>, vector<16xf32>,
    %get3A_508 = arith.constant 496 : index
    %get3A_509 = tpu.vector_load %arg9[%get3A_508] {strides = array<i32>} : memref<512xf32, #tpu.memory_space<vmem>>, vector<16xf32>,
    %get3A_510 = vector.shape_cast %get3A_509 : vector<16xf32> to vector<16xf32>
    %get3A_511 = arith.constant 496 : index
    %get3A_512 = tpu.vector_load %arg10[%get3A_511] {strides = array<i32>} : memref<512xf32, #tpu.memory_space<vmem>>, vector<16xf32>,
    %get3A_513 = vector.shape_cast %get3A_512 : vector<16xf32> to vector<16xf32>
    %add3A_514 = arith.addf %get3A_510, %get3A_513 : vector<16xf32>
    %swap3A_515 = arith.constant 496 : index
    %swap3A_516 = tpu.vector_load %arg11[%swap3A_515] {strides = array<i32>} : memref<512xf32, #tpu.memory_space<vmem>>, vector<16xf32>,
    %swap3A_517 = vector.shape_cast %swap3A_516 : vector<16xf32> to vector<16xf32>
    %swap3A_518 = vector.shape_cast %add3A_514 : vector<16xf32> to vector<16xf32>
    tpu.vector_store %arg11[%swap3A_515], %swap3A_518 {strides = array<i32>} : memref<512xf32, #tpu.memory_space<vmem>>, vector<16xf32>,
    "tpu.region"() ({
      %run_scoped3A = tpu.sem_alloc : memref<!tpu.dma_semaphore, #tpu.memory_space<semaphore_mem>>
      %dma_start3A_519 = tpu.memref_slice %arg6[%mul3A_2] : memref<16384xf32, #tpu.memory_space<hbm>> -> memref<512xf32, #tpu.memory_space<hbm>>
      %dma_start3A_520 = tpu.memref_slice %arg6[%mul3A_2] : memref<16384xf32, #tpu.memory_space<hbm>> -> memref<512xf32, #tpu.memory_space<hbm>>
      tpu.enqueue_dma source(%arg11 : memref<512xf32, #tpu.memory_space<vmem>>) target(%dma_start3A_520 : memref<512xf32, #tpu.memory_space<hbm>>) target_semaphore(%run_scoped3A : memref<!tpu.dma_semaphore, #tpu.memory_space<semaphore_mem>>)
      %dma_wait3A_521 = tpu.memref_slice %arg6[%mul3A_2] : memref<16384xf32, #tpu.memory_space<hbm>> -> memref<512xf32, #tpu.memory_space<hbm>>
      %dma_wait3A_522 = tpu.memref_slice %arg6[%mul3A_2] : memref<16384xf32, #tpu.memory_space<hbm>> -> memref<512xf32, #tpu.memory_space<hbm>>
      tpu.wait_dma2 semaphore(%run_scoped3A : memref<!tpu.dma_semaphore, #tpu.memory_space<semaphore_mem>>) src(%arg11 : memref<512xf32, #tpu.memory_space<vmem>>) dst(%dma_wait3A_522 : memref<512xf32, #tpu.memory_space<hbm>>)
      tpu.yield
    }) : () -> ()
    return
  }
}

module attributes {stable_mosaic.version = 14 : i64} {
  func.func @_add_body(%arg0: memref<1xf32, #tpu.memory_space<smem>>, %arg1: memref<16384xf32, #tpu.memory_space<vmem>>, %arg2: memref<16384xf32, #tpu.memory_space<vmem>>, %arg3: memref<16384xf32, #tpu.memory_space<vmem>>) attributes {dimension_semantics = [], scalar_prefetch = 0 : i64, scratch_operands = 0 : i64, tpu.core_type = #tpu.core_type<tc>} {
    %get3A = arith.constant 0 : index
    %get3A_0 = vector.load %arg1[%get3A] : memref<16384xf32, #tpu.memory_space<vmem>>, vector<16384xf32>
    %get3A_1 = arith.constant 0 : index
    %get3A_2 = vector.load %arg2[%get3A_1] : memref<16384xf32, #tpu.memory_space<vmem>>, vector<16384xf32>
    %add3A = arith.addf %get3A_0, %get3A_2 : vector<16384xf32>
    %get3A_3 = arith.constant 0 : index
    %get3A_4 = memref.load %arg0[%get3A_3] : memref<1xf32, #tpu.memory_space<smem>>
    %add3A_5 = vector.broadcast %get3A_4 : f32 to vector<16384xf32>
    %add3A_6 = arith.addf %add3A, %add3A_5 : vector<16384xf32>
    %swap3A = arith.constant 0 : index
    %swap3A_7 = vector.load %arg3[%swap3A] : memref<16384xf32, #tpu.memory_space<vmem>>, vector<16384xf32>
    tpu.vector_store %arg3[%swap3A], %add3A_6 {strides = array<i32>} : memref<16384xf32, #tpu.memory_space<vmem>>, vector<16384xf32>,
    return
  }
}

module attributes {stable_mosaic.version = 14 : i64} {
  func.func @_dot_body(%arg0: i32, %arg1: memref<16x16384xf32, #tpu.memory_space<vmem>>, %arg2: memref<16x16384xf32, #tpu.memory_space<vmem>>, %arg3: memref<16384xf32, #tpu.memory_space<vmem>>) attributes {dimension_semantics = [#tpu.dimension_semantics<arbitrary>], iteration_bounds = array<i64: 4>, scalar_prefetch = 0 : i64, scratch_operands = 0 : i64, tpu.core_type = #tpu.core_type<tc>, window_params = [{transform_indices = @transform_0, window_bounds = array<i64: 16, 16384>}, {transform_indices = @transform_1, window_bounds = array<i64: 16, 16384>}, {pipeline_mode = #tpu.pipeline_mode<synchronous>, transform_indices = @transform_2, window_bounds = array<i64: 16384>}]} {
    %get3A = arith.constant 0 : index
    %get3A_0 = arith.constant 0 : index
    %get3A_1 = vector.load %arg1[%get3A, %get3A_0] : memref<16x16384xf32, #tpu.memory_space<vmem>>, vector<16x16384xf32>
    %get3A_2 = arith.constant 0 : index
    %get3A_3 = arith.constant 0 : index
    %get3A_4 = vector.load %arg2[%get3A_2, %get3A_3] : memref<16x16384xf32, #tpu.memory_space<vmem>>, vector<16x16384xf32>
    %mul3A = arith.mulf %get3A_1, %get3A_4 : vector<16x16384xf32>
    %reduce_sum3A = arith.constant dense<0.000000e+00> : vector<16384xf32>
    %reduce_sum3A_5 = vector.multi_reduction <add>, %mul3A, %reduce_sum3A [0] : vector<16x16384xf32> to vector<16384xf32>
    %eq3A = arith.constant 0 : i32
    %eq3A_6 = arith.cmpi eq, %arg0, %eq3A : i32
    %convert_element_type3A = arith.extui %eq3A_6 : i1 to i32
    %cond3A = arith.constant 0 : i32
    %cond3A_7 = arith.cmpi ne, %convert_element_type3A, %cond3A : i32
    scf.if %cond3A_7 {
      %swap3A = arith.constant 0 : index
      %swap3A_12 = vector.load %arg3[%swap3A] : memref<16384xf32, #tpu.memory_space<vmem>>, vector<16384xf32>
      tpu.vector_store %arg3[%swap3A], %reduce_sum3A_5 {strides = array<i32>} : memref<16384xf32, #tpu.memory_space<vmem>>, vector<16384xf32>,
    } else {
    }
    %gt3A = arith.constant 0 : i32
    %gt3A_8 = arith.cmpi sgt, %arg0, %gt3A : i32
    %convert_element_type3A_9 = arith.extui %gt3A_8 : i1 to i32
    %cond3A_10 = arith.constant 0 : i32
    %cond3A_11 = arith.cmpi ne, %convert_element_type3A_9, %cond3A_10 : i32
    scf.if %cond3A_11 {
      %get3A_12 = arith.constant 0 : index
      %get3A_13 = vector.load %arg3[%get3A_12] : memref<16384xf32, #tpu.memory_space<vmem>>, vector<16384xf32>
      %add3A = arith.addf %get3A_13, %reduce_sum3A_5 : vector<16384xf32>
      %swap3A = arith.constant 0 : index
      %swap3A_14 = vector.load %arg3[%swap3A] : memref<16384xf32, #tpu.memory_space<vmem>>, vector<16384xf32>
      tpu.vector_store %arg3[%swap3A], %add3A {strides = array<i32>} : memref<16384xf32, #tpu.memory_space<vmem>>, vector<16384xf32>,
    } else {
    }
    return
  }
  func.func @transform_0(%arg0: i32) -> (i32, i32) {
    %c0_i32 = arith.constant 0 : i32
    %c0_i32_0 = arith.constant 0 : i32
    return %arg0, %c0_i32 : i32, i32
  }
  func.func @transform_1(%arg0: i32) -> (i32, i32) {
    %c0_i32 = arith.constant 0 : i32
    %c0_i32_0 = arith.constant 0 : i32
    return %arg0, %c0_i32 : i32, i32
  }
  func.func @transform_2(%arg0: i32) -> i32 {
    %c0_i32 = arith.constant 0 : i32
    %c0_i32_0 = arith.constant 0 : i32
    return %c0_i32 : i32
  }
}

</mosaic_0001>

<sc_bundles>
// kernel: _pooler.5.cloned.1.call-start
scs
__scs_entry_jumppad:
0x0: {  	(pc) =	sbr.rel $0x88, $3  }
0x1: {  	(tag) =	ssettag $0x0;
	lr =	simm.s32 $0x1  }
0x2: {  	[smem:$0x3F9A] =	sst lr;
	_ =	strace $0xD0000000  }
0x3: {  	_ = 	snop  }
0x4: {  	_ = 	snop  }
0x5: {  	_ = 	snop  }
0x6: {  	_ = 	snop  }
0x7: {  	_ = 	snop  }
__scs_overlays_trampoline_lowered:
0x8: {  	[smem:$0x3FA9] =	sst s0  }
0x9: {  	[smem:$0x3FAA] =	sst s1  }
0xa: {  	[smem:$0x3FAB] =	sst s2  }
0xb: {  	[smem:$0x3FAC] =	sst s3  }
0xc: {  	[smem:$0x3FAD] =	sst s4  }
0xd: {  	[smem:$0x3FAE] =	sst s5  }
0xe: {  	[smem:$0x3FAF] =	sst s6  }
0xf: {  	[smem:$0x3FB0] =	sst s7  }
0x10: {  	[smem:$0x3FB1] =	sst s8  }
0x11: {  	[smem:$0x3FB2] =	sst s9;
	s0 =	simm.s32 @!p0 $0x0  }
0x12: {  	s1 =	sld [smem:$0x3F98];
	s0 =	simm.s32 @p0 $0x1  }
0x13: {  	[smem:$0x3FB3] =	sst s0;
	s0 =	simm.s32 @!p1 $0x0  }
0x14: {  	s2 =	sld [smem:$0x3F97];
	s0 =	simm.s32 @p1 $0x1  }
0x15: {  	[smem:$0x3FB4] =	sst s0;
	s0 =	simm.s32 @!p2 $0x0  }
0x16: {  	s3 =	sld [smem:$0x3FDB];
	s0 =	simm.s32 @p2 $0x1  }
0x17: {  	s4 =	simm.s32 $0x1BF5;
	[smem:$0x3FB6] =	sst s0  }
0x18: {  	s0 =	sld [smem:$0x3F99];
	_ =	swait.ge [sflag:s4], $0x0  }
0x19: {  	s7 =	sld [smem:$0x3F9A]  }
0x1a: {  	s8 =	sadd.s32 $0xFFFFE003, lr  }
0x1b: {  	s9 =	sadd.s32 $0xFFFFFEF7, lr;
	s5 =	simm.s32 $0xFFFFFFFF;
	p2 =	slt.u32 s8, $0xFFFFF086  }
0x1c: {  	p1 =	slt.u32 s9, $0xF7A;
	s5 =	simm.s32 @!p2 $0x0  }
0x1d: {  	s5 =	simm.s32 @p1 $0x1;
	p0 =	seq.s32 s7, s2  }
0x1e: {  	s7 =	smul.u32 @!p0 $0xF7A, s2;
	p2 =	seq.s32 @!p0 s5, $0x0  }
0x1f: {  	s9 =	smul.u32 $0xF7A, s1;
	s8 =	simm.s32 @!p0 $0x1BF5;
	p2 =	por !p2, p0  }
0x20: {  	[sflag:s8] =	ssyncset.s32 @!p0 $0xFFFFF086;
	s6 =	sadd.s32 @!p0 s3, s7;
	s7 =	simm.s32 @!p0 $0x108  }
0x21: {  	s3 =	sadd.s32 s3, s9;
	s6 =	sadd.s32 @!p0 $0x88, s6;
	s7 =	simm.s32 @p2 $0x1082  }
0x22: {  	[simem:s7], [sflag:s8] =	dma.local @!p0 [hbm:s6], $0xF7A  }
0x23: {  	s9 =	sor.u32 $0xD0000000, s2;
	s6 =	simm.s32 $0x108;
	_ =	swait.ge @!p0 [sflag:s8], $0x0  }
0x24: {  	s3 =	sadd.s32 $0x88, s3;
	s6 =	simm.s32 @!p1 $0x1082;
	[sflag:s4] =	ssyncset.s32 $0xFFFFF086  }
0x25: {  	[simem:s6], [sflag:s4] =	dma.local [hbm:s3], $0xF7A  }
0x26: {  	[smem:$0x3F9A] =	sst s1;
	(tag) =	ssettag s2;
	_ =	strace s9  }
0x27: {  	s1 =	sld [smem:$0x3FAA]  }
0x28: {  	s2 =	sld [smem:$0x3FAB]  }
0x29: {  	s4 =	sld [smem:$0x3FAD]  }
0x2a: {  	p0 =	seq.s32 s5, $0x0;
	s5 =	sld [smem:$0x3FAE]  }
0x2b: {  	s6 =	sld [smem:$0x3FAF]  }
0x2c: {  	s7 =	sld [smem:$0x3FB0]  }
0x2d: {  	s3 =	simm.s32 $0x108;
	s8 =	sld [smem:$0x3FB1]  }
0x2e: {  	s3 =	simm.s32 @!p0 $0x1082;
	s9 =	sld [smem:$0x3FB2]  }
0x2f: {  	lr =	sadd.s32 s0, s3;
	s0 =	sld [smem:$0x3FA9]  }
0x30: {  	s3 =	sld [smem:$0x3FAC]  }
0x31: {  	[smem:$0x3FB5] =	sst s10  }
0x32: {  	s10 =	sld [smem:$0x3FB3];
	_ =	sdelay $0x3  }
0x33: {  	p0 =	seq.s32 s10, $0x1;
	s10 =	sld [smem:$0x3FB5];
	_ =	sdelay $0x3  }
0x34: {  	[smem:$0x3FB5] =	sst s10  }
0x35: {  	s10 =	sld [smem:$0x3FB4];
	_ =	sdelay $0x3  }
0x36: {  	p1 =	seq.s32 s10, $0x1;
	s10 =	sld [smem:$0x3FB5];
	_ =	sdelay $0x3  }
0x37: {  	[smem:$0x3FB5] =	sst s10  }
0x38: {  	s10 =	sld [smem:$0x3FB6]  }
0x39: {  	_ = 	snop;
	(pc) =	sbr.ind lr, $3  }
0x3a: {  	_ = 	snop  }
0x3b: {  	_ = 	snop  }
0x3c: {  	p2 =	seq.s32 s10, $0x1;
	s10 =	sld [smem:$0x3FB5]  }
0x3d: {  	_ =	shalt  }
0x3e: {  	_ =	shalt  }
0x3f: {  	_ =	shalt  }
0x40: {  	_ =	shalt  }
0x41: {  	_ =	shalt  }
0x42: {  	_ =	shalt  }
0x43: {  	_ =	shalt  }
0x44: {  	_ =	shalt  }
0x45: {  	_ =	shalt  }
0x46: {  	_ =	shalt  }
0x47: {  	_ =	shalt  }
0x48: {  	_ =	shalt  }
0x49: {  	_ =	shalt  }
0x4a: {  	_ =	shalt  }
0x4b: {  	_ =	shalt  }
0x4c: {  	_ =	shalt  }
0x4d: {  	_ =	shalt  }
0x4e: {  	_ =	shalt  }
0x4f: {  	_ =	shalt  }
0x50: {  	_ =	shalt  }
0x51: {  	_ =	shalt  }
0x52: {  	_ =	shalt  }
0x53: {  	_ =	shalt  }
0x54: {  	_ =	shalt  }
0x55: {  	_ =	shalt  }
0x56: {  	_ =	shalt  }
0x57: {  	_ =	shalt  }
0x58: {  	_ =	shalt  }
0x59: {  	_ =	shalt  }
0x5a: {  	_ =	shalt  }
0x5b: {  	_ =	shalt  }
0x5c: {  	_ =	shalt  }
0x5d: {  	_ =	shalt  }
0x5e: {  	_ =	shalt  }
0x5f: {  	_ =	shalt  }
0x60: {  	_ =	shalt  }
0x61: {  	_ =	shalt  }
0x62: {  	_ =	shalt  }
0x63: {  	_ =	shalt  }
0x64: {  	_ =	shalt  }
0x65: {  	_ =	shalt  }
0x66: {  	_ =	shalt  }
0x67: {  	_ =	shalt  }
0x68: {  	_ =	shalt  }
0x69: {  	_ =	shalt  }
0x6a: {  	_ =	shalt  }
0x6b: {  	_ =	shalt  }
0x6c: {  	_ =	shalt  }
0x6d: {  	_ =	shalt  }
0x6e: {  	_ =	shalt  }
0x6f: {  	_ =	shalt  }
0x70: {  	_ =	shalt  }
0x71: {  	_ =	shalt  }
0x72: {  	_ =	shalt  }
0x73: {  	_ =	shalt  }
0x74: {  	_ =	shalt  }
0x75: {  	_ =	shalt  }
0x76: {  	_ =	shalt  }
0x77: {  	_ =	shalt  }
0x78: {  	_ =	shalt  }
0x79: {  	_ =	shalt  }
0x7a: {  	_ =	shalt  }
0x7b: {  	_ =	shalt  }
0x7c: {  	_ =	shalt  }
0x7d: {  	_ =	shalt  }
0x7e: {  	_ =	shalt  }
0x7f: {  	_ =	shalt  }
0x80: {  	_ =	shalt  }
0x81: {  	_ =	shalt  }
0x82: {  	_ =	shalt  }
0x83: {  	_ =	shalt  }
0x84: {  	_ =	shalt  }
0x85: {  	_ =	shalt  }
0x86: {  	_ =	shalt  }
0x87: {  	_ =	shalt  }
.Lfunc_end0:
.L_simem_size_0:
called_computation_lowered:
.L_overlay_start_0:
0x88: {  	s2 =	sld [smem:$0x3FD9]  }
0x89: {  	s3 =	sld [smem:$0x3FFE];
	_ =	sdelay $0x1  }
0x8a: {  	s1 =	srdreg.scid  }
0x8b: {  	s0 =	sand.u32 $0x1, s1  }
0x8c: {  	s18 =	sshll.u32 s0, $0xA;
	s2 =	sadd.s32 s3, s2  }
0x8d: {  	s2 =	sadd.s32 s2, s18  }
0x8e: {  	[smem:$0x3FC1] =	sst s2  }
0x8f: {  	_ = 	snop  }
0x90: {  	s2 =	sld [smem:$0x3FC7]  }
0x91: {  	s19 =	sld [smem:$0x3FC6]  }
0x92: {  	s4 =	sld [smem:$0x3FC5]  }
0x93: {  	s5 =	sld [smem:$0x3FC4]  }
0x94: {  	s6 =	sld [smem:$0x3FD0];
	(tm) =	ssettm $0x1  }
0x95: {  	s7 =	sld [smem:$0x3FFB];
	_ =	sdelay $0x3  }
0x96: {  	_ =	strace s7  }
0x97: {  	s7 =	sld [smem:$0x3FFC];
	_ =	sdelay $0x3  }
0x98: {  	_ =	strace s7  }
0x99: {  	s7 =	sld [smem:$0x3FFD];
	_ =	sdelay $0x3  }
0x9a: {  	_ =	strace s7  }
0x9b: {  	_ =	strace $0x8FFFFFFF  }
0x9c: {  	s20 =	sld [smem:$0x3FDB];
	_ =	sdelay $0x1  }
0x9d: {  	s8 =	simm.s32 $_scs_section_size  }
0x9e: {  	s9 =	simm.s32 $_size__tile_overlayer_lowered;
	s10 =	simm.s32 $_tile_overlayer_lowered  }
0x9f: {  	s23 =	simm.s32 $0x1BFF;
	s22 =	sshll.u32 s10, $0x1;
	s7 =	sadd.s32 s8, s20  }
0xa0: {  	s11 =	simm.s32 $0x0;
	s21 =	sshll.u32 s9, $0x1;
	s9 =	sadd.s32 s22, s7  }
0xa1: {  	[timem:s11], [sflag:s23] =	dma.local [hbm:s9], s21  }
0xa2: {  	_ =	swait.ge [sflag:s23], s21  }
0xa3: {  	s8 =	ssub.s32 $0x0, s21;
	[sflag:s23] =	ssyncset.done $0x0  }
0xa4: {  	[sflag:s23] =	ssyncadd.s32 s8;
	_ =	sdelay $0x1  }
0xa5: {  	s24 =	simm.s32 $0x1B8B  }
0xa6: {  	_ =	swait.ge [sflag:s24], $0x1  }
0xa7: {  	[sflag:s24] =	ssyncset.done $0x0  }
0xa8: {  	s25 =	simm.s32 $0x1B8E;
	[sflag:s24] =	ssyncadd.s32 $0xFFFFFFFF  }
0xa9: {  	s26 =	simm.s32 $execute0_lowered;
	[smem:$0x3FD2] =	sst s25  }
0xaa: {  	s8 =	sshll.u32 s26, $0x1;
	_ =	strace $0x80000046;
	[dreg:$0x1] =	wrdreg $0xFFFFFFFF  }
0xab: {  	s28 =	simm.s32 $_size_execute0_lowered;
	s7 =	sadd.s32 s7, s8;
	[dreg:$0x0] =	wrdreg $0x0  }
0xac: {  	s8 =	sshll.u32 s28, $0x1;
	[dreg:$0x2] =	wrdreg s7  }
0xad: {  	[dreg:$0x3] =	wrdreg s8  }
0xae: {  	[dreg:$0x4] =	wrdreg $0xC0  }
0xaf: {  	_ =	task [dreg:s11], $0x5FFFF  }
0xb0: {  	[dreg:$0x1] =	wrdreg $0xFFFFFFFF  }
0xb1: {  	[dreg:$0x0] =	wrdreg $0x60  }
0xb2: {  	[dreg:$0x2] =	wrdreg s2  }
0xb3: {  	[dreg:$0x3] =	wrdreg s19  }
0xb4: {  	[dreg:$0x4] =	wrdreg s4  }
0xb5: {  	[dreg:$0x5] =	wrdreg s5  }
0xb6: {  	[dreg:$0x6] =	wrdreg s6  }
0xb7: {  	[dreg:$0x7] =	wrdreg $0x9  }
0xb8: {  	_ =	task.clear_ibuf [dreg:s11], $0x8FFFF;
	_ =	strace $0x90000046  }
0xb9: {  	s29 =	simm.s32 $0x9;
	_ =	strace $0x80000048  }
0xba: {  	_ =	swait.ge [sflag:s29], $0x1  }
0xbb: {  	[sflag:s29] =	ssyncadd.s32 $0xFFFFFFFF  }
0xbc: {  	_ =	strace $0x90000048  }
0xbd: {  	_ =	sfence  }
0xbe: {  	s30 =	sld [smem:$0x0];
	_ =	sdelay $0x2  }
0xbf: {  	s31 =	sshll.u32 s1, $0xD;
	s1 =	sshrl.u32 s1, $0x2  }
0xc0: {  	s3 =	sand.u32 $0x4000, s31;
	s1 =	sadd.s32 s1, s30  }
0xc1: {  	s0 =	sor.u32 s3, s0;
	s1 =	sshll.u32 s1, $0x11  }
0xc2: {  	s0 =	sor.u32 s1, s0  }
0xc3: {  	s0 =	sadd.s32 $0x8F2B, s0  }
0xc4: {  	[sflag:s0] =	ssyncadd.remote.s32 $0x1  }
0xc5: {  	_ =	sfence.sel $0xFFFF  }
0xc6: {  	[dreg:$0x0] =	wrdreg $0xFFFFFFFF;
	(pc) =	sbr.abs _section_cstart, $3  }
0xc7: {  	[dreg:$0x1] =	wrdreg $0xFFFFFFFF  }
0xc8: {  	_ =	task.clear_ibuf [dreg:s11], $0x2FFFF;
	_ =	strace $0x9FFFFFFF  }
0xc9: {  	(tm) =	ssettm $0x7FFFFFFF  }
tec
execute0_lowered:
.L_overlay_start_1:
0x0: {  	(tag) =	ssettag $0x1  }
0x1: {  	s5 =	rddreg [dreg:$0x0]  }
0x2: {  	s6 =	rddreg [dreg:$0x1]  }
0x3: {  	s1 =	rddreg [dreg:$0x2]  }
0x4: {  	s2 =	rddreg [dreg:$0x3]  }
0x5: {  	s7 =	rddreg [dreg:$0x4];
	s3 =	srdreg.scid  }
0x6: {  	s0 =	rddreg [dreg:$0x5];
	s4 =	simm.s32 $0x0;
	s12 =	simm.s32 $0x400  }
0x7: {  	s13 =	simm.s32 $0x480;
	s14 =	simm.s32 $0x100;
	s15 =	simm.s32 $0x500  }
0x8: {  	s16 =	simm.s32 $0x180;
	s17 =	simm.s32 $0x580;
	s18 =	simm.s32 $0x2  }
0x9: {  	s19 =	simm.s32 $0x600;
	s20 =	simm.s32 $0x280;
	s21 =	simm.s32 $0x680  }
0xa: {  	s22 =	simm.s32 $0x300;
	s23 =	simm.s32 $0x700;
	s24 =	simm.s32 $0x380  }
0xb: {  	s25 =	simm.s32 $0x780;
	s26 =	simm.s32 $0x3;
	s28 =	simm.s32 $0x800  }
0xc: {  	s29 =	simm.s32 $0x4;
	s8 =	sand.u32 $0x1, s3;
	s3 =	stileid.u32  }
0xd: {  	[smem:$0x7FF] =	sst s4;
	s9 =	ssub.s32 $0x2, s8;
	s11 =	sshll.u32 s3, $0x7  }
0xe: {  	s8 =	sshll.u32 s8, $0x6;
	_ =	strace $0x80000047;
	s10 =	sshrl.u32 s9, $0x1  }
0xf: {  	s8 =	sor.u32 s8, s11;
	s11 =	simm.s32 $0x80;
	s9 =	ssub.s32 s9, s10  }
0x10: {  	s5 =	sadd.s32 s5, s8;
	s6 =	sadd.s32 s6, s8;
	s7 =	sadd.s32 s7, s8  }
0x11: {  	s10 =	simm.s32 $0x1;
	s8 =	smax.u32 s9, $0x1;
	s9 =	simm.s32 $0x200  }
.LBB2_1:
0x12: {  	[tilespmem:s4], [sflag:$0x1] =	stream.linear.gather [hbm4b:s5+s4], $0x200, $0x38;
	[tilespmem:$0xA00] =	vst v63  }
0x13: {  	_ = 	snop  }
0x14: {  	[tilespmem:s9], [sflag:$0x2] =	stream.linear.gather [hbm4b:s6+s4], $0x200, $0x38;
	[tilespmem:$0xA00] =	vst v63  }
0x15: {  	_ =	swait.ge [sflag:s10], $0x200  }
0x16: {  	[sflag:s10] =	ssyncset.done $0x0  }
0x17: {  	[sflag:s10] =	ssyncadd.s32 $0xFFFFFE00  }
0x18: {  	[tilespmem:s12], [sflag:$0x3] =	stream.indirect.gather [hbm4b:s1+s11], $0x1, s4, s11, $0xb8;
	[tilespmem:$0xA00] =	vst v63  }
0x19: {  	_ = 	snop  }
0x1a: {  	[tilespmem:s13], [sflag:$0x3] =	stream.indirect.gather [hbm4b:s1+s11], $0x1, s11, s11, $0xb8;
	[tilespmem:$0xA00] =	vst v63  }
0x1b: {  	_ = 	snop  }
0x1c: {  	[tilespmem:s15], [sflag:$0x3] =	stream.indirect.gather [hbm4b:s1+s11], $0x1, s14, s11, $0xb8;
	[tilespmem:$0xA00] =	vst v63  }
0x1d: {  	_ = 	snop  }
0x1e: {  	[tilespmem:s17], [sflag:$0x3] =	stream.indirect.gather [hbm4b:s1+s11], $0x1, s16, s11, $0xb8;
	[tilespmem:$0xA00] =	vst v63  }
0x1f: {  	_ =	swait.ge [sflag:s18], $0x200  }
0x20: {  	[sflag:s18] =	ssyncset.done $0x0  }
0x21: {  	[sflag:s18] =	ssyncadd.s32 $0xFFFFFE00  }
0x22: {  	[tilespmem:s19], [sflag:$0x3] =	stream.indirect.gather [hbm4b:s2+s11], $0x1, s9, s11, $0xb8;
	[tilespmem:$0xA00] =	vst v63  }
0x23: {  	_ = 	snop  }
0x24: {  	[tilespmem:s21], [sflag:$0x3] =	stream.indirect.gather [hbm4b:s2+s11], $0x1, s20, s11, $0xb8;
	[tilespmem:$0xA00] =	vst v63  }
0x25: {  	_ = 	snop  }
0x26: {  	[tilespmem:s23], [sflag:$0x3] =	stream.indirect.gather [hbm4b:s2+s11], $0x1, s22, s11, $0xb8;
	[tilespmem:$0xA00] =	vst v63  }
0x27: {  	_ = 	snop  }
0x28: {  	[tilespmem:s25], [sflag:$0x3] =	stream.indirect.gather [hbm4b:s2+s11], $0x1, s24, s11, $0xb8;
	[tilespmem:$0xA00] =	vst v63  }
0x29: {  	_ =	swait.ge [sflag:s26], $0x80  }
0x2a: {  	[sflag:s26] =	ssyncset.done $0x0  }
0x2b: {  	[sflag:s26] =	ssyncadd.s32 $0xFFFFFF80  }
0x2c: {  	_ =	swait.ge [sflag:s26], $0x80  }
0x2d: {  	[sflag:s26] =	ssyncset.done $0x0  }
0x2e: {  	[sflag:s26] =	ssyncadd.s32 $0xFFFFFF80  }
0x2f: {  	_ =	swait.ge [sflag:s26], $0x80  }
0x30: {  	[sflag:s26] =	ssyncset.done $0x0  }
0x31: {  	[sflag:s26] =	ssyncadd.s32 $0xFFFFFF80  }
0x32: {  	_ =	swait.ge [sflag:s26], $0x80  }
0x33: {  	[sflag:s26] =	ssyncset.done $0x0  }
0x34: {  	[sflag:s26] =	ssyncadd.s32 $0xFFFFFF80  }
0x35: {  	_ =	swait.ge [sflag:s26], $0x80  }
0x36: {  	[sflag:s26] =	ssyncset.done $0x0  }
0x37: {  	[sflag:s26] =	ssyncadd.s32 $0xFFFFFF80  }
0x38: {  	_ =	swait.ge [sflag:s26], $0x80  }
0x39: {  	[sflag:s26] =	ssyncset.done $0x0  }
0x3a: {  	[sflag:s26] =	ssyncadd.s32 $0xFFFFFF80  }
0x3b: {  	_ =	swait.ge [sflag:s26], $0x80  }
0x3c: {  	[sflag:s26] =	ssyncset.done $0x0  }
0x3d: {  	[sflag:s26] =	ssyncadd.s32 $0xFFFFFF80  }
0x3e: {  	_ =	swait.ge [sflag:s26], $0x80  }
0x3f: {  	[sflag:s26] =	ssyncset.done $0x0  }
0x40: {  	[sflag:s26] =	ssyncadd.s32 $0xFFFFFF80  }
0x41: {  	v0 =	vld [tilespmem:$0x400]  }
0x42: {  	v1 =	vld [tilespmem:$0x600]  }
0x43: {  	v2 =	vld [tilespmem:$0x410]  }
0x44: {  	v3 =	vld [tilespmem:$0x610]  }
0x45: {  	v4 =	vld [tilespmem:$0x420]  }
0x46: {  	v5 =	vld [tilespmem:$0x620]  }
0x47: {  	v6 =	vld [tilespmem:$0x430]  }
0x48: {  	v7 =	vld [tilespmem:$0x630]  }
0x49: {  	v8 =	vld [tilespmem:$0x440]  }
0x4a: {  	v9 =	vld [tilespmem:$0x640]  }
0x4b: {  	v10 =	vld [tilespmem:$0x450]  }
0x4c: {  	v11 =	vld [tilespmem:$0x650]  }
0x4d: {  	v12 =	vld [tilespmem:$0x460]  }
0x4e: {  	v13 =	vld [tilespmem:$0x660]  }
0x4f: {  	v14 =	vld [tilespmem:$0x470]  }
0x50: {  	v15 =	vld [tilespmem:$0x670]  }
0x51: {  	v16 =	vld [tilespmem:$0x480]  }
0x52: {  	v17 =	vld [tilespmem:$0x680]  }
0x53: {  	v18 =	vld [tilespmem:$0x490]  }
0x54: {  	v19 =	vld [tilespmem:$0x690]  }
0x55: {  	v20 =	vld [tilespmem:$0x4A0]  }
0x56: {  	v21 =	vld [tilespmem:$0x6A0]  }
0x57: {  	v22 =	vld [tilespmem:$0x4B0]  }
0x58: {  	v23 =	vld [tilespmem:$0x6B0]  }
0x59: {  	v24 =	vld [tilespmem:$0x4C0]  }
0x5a: {  	v25 =	vld [tilespmem:$0x6C0]  }
0x5b: {  	v26 =	vld [tilespmem:$0x4D0]  }
0x5c: {  	v27 =	vld [tilespmem:$0x6D0]  }
0x5d: {  	v28 =	vld [tilespmem:$0x4E0]  }
0x5e: {  	v29 =	vld [tilespmem:$0x6E0]  }
0x5f: {  	v30 =	vld [tilespmem:$0x4F0]  }
0x60: {  	v31 =	vld [tilespmem:$0x6F0]  }
0x61: {  	v32 =	vld [tilespmem:$0x500]  }
0x62: {  	v33 =	vld [tilespmem:$0x700]  }
0x63: {  	v34 =	vld [tilespmem:$0x510]  }
0x64: {  	v35 =	vld [tilespmem:$0x710]  }
0x65: {  	v36 =	vld [tilespmem:$0x520]  }
0x66: {  	v46 =	vld [tilespmem:$0x720];
	v0 =	vadd.f32 v1, v0  }
0x67: {  	v47 =	vld [tilespmem:$0x530];
	v2 =	vadd.f32 v3, v2  }
0x68: {  	v49 =	vld [tilespmem:$0x730];
	v48 =	vadd.f32 v5, v4;
	[tilespmem:$0x800] =	vst v0  }
0x69: {  	v51 =	vld [tilespmem:$0x540];
	v50 =	vadd.f32 v7, v6;
	[tilespmem:$0x810] =	vst v2  }
0x6a: {  	v53 =	vld [tilespmem:$0x740];
	v52 =	vadd.f32 v9, v8;
	[tilespmem:$0x820] =	vst v48  }
0x6b: {  	v55 =	vld [tilespmem:$0x550];
	v54 =	vadd.f32 v11, v10;
	[tilespmem:$0x830] =	vst v50  }
0x6c: {  	v57 =	vld [tilespmem:$0x750];
	v56 =	vadd.f32 v13, v12;
	[tilespmem:$0x840] =	vst v52  }
0x6d: {  	v59 =	vld [tilespmem:$0x560];
	v58 =	vadd.f32 v15, v14;
	[tilespmem:$0x850] =	vst v54  }
0x6e: {  	v61 =	vld [tilespmem:$0x760];
	v60 =	vadd.f32 v17, v16;
	[tilespmem:$0x860] =	vst v56  }
0x6f: {  	v63 =	vld [tilespmem:$0x570];
	v62 =	vadd.f32 v19, v18;
	[tilespmem:$0x870] =	vst v58  }
0x70: {  	v37 =	vld [tilespmem:$0x5A0];
	v20 =	vadd.f32 v21, v20;
	[tilespmem:$0x880] =	vst v60  }
0x71: {  	v39 =	vld [tilespmem:$0x7A0];
	v22 =	vadd.f32 v23, v22;
	[tilespmem:$0x890] =	vst v62  }
0x72: {  	v41 =	vld [tilespmem:$0x5B0];
	v24 =	vadd.f32 v25, v24;
	[tilespmem:$0x8A0] =	vst v20  }
0x73: {  	v43 =	vld [tilespmem:$0x7B0];
	v26 =	vadd.f32 v27, v26;
	[tilespmem:$0x8B0] =	vst v22  }
0x74: {  	v45 =	vld [tilespmem:$0x5C0];
	v28 =	vadd.f32 v29, v28;
	[tilespmem:$0x8C0] =	vst v24  }
0x75: {  	v21 =	vld [tilespmem:$0x770];
	v31 =	vadd.f32 v31, v30;
	[tilespmem:$0x8D0] =	vst v26  }
0x76: {  	v23 =	vld [tilespmem:$0x580];
	v38 =	vadd.f32 v33, v32;
	[tilespmem:$0x8E0] =	vst v28  }
0x77: {  	v25 =	vld [tilespmem:$0x780];
	v40 =	vadd.f32 v35, v34;
	[tilespmem:$0x8F0] =	vst v31  }
0x78: {  	v27 =	vld [tilespmem:$0x590];
	v42 =	vadd.f32 v46, v36;
	[tilespmem:$0x900] =	vst v38  }
0x79: {  	v29 =	vld [tilespmem:$0x790];
	v44 =	vadd.f32 v49, v47;
	[tilespmem:$0x910] =	vst v40  }
0x7a: {  	v46 =	vadd.f32 v53, v51;
	v47 =	vld [tilespmem:$0x7C0];
	[tilespmem:$0x920] =	vst v42  }
0x7b: {  	v49 =	vld [tilespmem:$0x5D0];
	v1 =	vadd.f32 v43, v41;
	[tilespmem:$0x930] =	vst v44  }
0x7c: {  	v51 =	vld [tilespmem:$0x7D0];
	v48 =	vadd.f32 v57, v55;
	[tilespmem:$0x940] =	vst v46  }
0x7d: {  	v53 =	vld [tilespmem:$0x5E0];
	v50 =	vadd.f32 v61, v59;
	[tilespmem:$0x9B0] =	vst v1  }
0x7e: {  	v55 =	vld [tilespmem:$0x7E0];
	v58 =	vadd.f32 v39, v37;
	[tilespmem:$0x950] =	vst v48  }
0x7f: {  	v57 =	vld [tilespmem:$0x5F0];
	[tilespmem:$0x960] =	vst v50;
	v52 =	vadd.f32 v21, v63  }
0x80: {  	v59 =	vld [tilespmem:$0x7F0];
	[tilespmem:$0x9A0] =	vst v58;
	v54 =	vadd.f32 v25, v23  }
0x81: {  	v56 =	vadd.f32 v29, v27;
	[tilespmem:$0x970] =	vst v52  }
0x82: {  	v60 =	vadd.f32 v47, v45;
	[tilespmem:$0x980] =	vst v54  }
0x83: {  	v61 =	vadd.f32 v51, v49;
	[tilespmem:$0x990] =	vst v56  }
0x84: {  	[tilespmem:$0x9C0] =	vst v60;
	v62 =	vadd.f32 v55, v53  }
0x85: {  	[tilespmem:$0x9D0] =	vst v61;
	v63 =	vadd.f32 v59, v57  }
0x86: {  	p0 =	sne.s32 s8, $0x1;
	[tilespmem:$0x9E0] =	vst v62  }
.Ltmp0:
0x87: {  	[tilespmem:$0x9F0] =	vst v63;
	(pc) =	sbr.rel @p0 .LBB2_1-.Ltmp0, $4  }
0x88: {  	[hbm4b:s7+s4] =	stream.linear.scatter [tilespmem:s28], [sflag:$0x4], $0x200, $0x38;
	[tilespmem:$0xA00] =	vst v63  }
0x89: {  	_ =	swait.ge [sflag:s29], $0x200  }
0x8a: {  	[sflag:s29] =	ssyncset.done $0x0  }
0x8b: {  	s8 =	sadd.s32 $0xFFFFFFFF, s8;
	[sflag:s29] =	ssyncadd.s32 $0xFFFFFE00  }
0x8c: {  	_ =	sfence.sel $0x180000  }
0x8d: {  	[bflag:$0x0] =	sbarrier.arrive $0xFFFF  }
0x8e: {  	p0 =	sne.s32 s3, $0x0;
	_ =	strace $0x90000047  }
0x8f: {  	s0 =	sadd.s32 @!p0 $0x100000, s0;
	[bflag:$0x2] =	sbarrier.arrive $0xFFFF  }
0x90: {  	[sflag:s0] =	ssyncadd.tile.s32 @!p0 $0x1;
	_ =	shalt  }
.Lfunc_end2:
_tile_overlayer_lowered:
.L_overlay_start_2:
0x91: {  	(tag) =	ssettag $0x2  }
0x92: {  	s0 =	rddreg [dreg:$0x0];
	s2 =	stileid.u32  }
0x93: {  	s1 =	rddreg [dreg:$0x1];
	p0 =	sne.s32 s2, $0x0  }
0x94: {  	s3 =	rddreg [dreg:$0x2];
	[bflag:$0x3] =	sbarrier.arrive $0xFFFF;
	s2 =	simm.s32 @!p0 $0x1C04  }
0x95: {  	[timem:s3], [sflag:s2] =	dma.local @!p0 [hbm:s0], s1  }
0x96: {  	s0 =	simm.s32 @!p0 $0x4  }
0x97: {  	_ =	swait.ge @!p0 [sflag:s0], s1  }
0x98: {  	s1 =	ssub.s32 @!p0 $0x0, s1;
	[sflag:s0] =	ssyncset.done @!p0 $0x0  }
0x99: {  	[sflag:s0] =	ssyncadd.s32 @!p0 s1  }
0x9a: {  	[bflag:$0x3] =	sbarrier.arrive $0xFFFF  }
0x9b: {  	_ =	shalt  }

</sc_bundles>
